<compile_context>
chip_gen: v7x
topology: tpu7x:2x2x1
jax: 0.10.2.dev20260603
libtpu: 0.0.44.dev20260713+nightly
codegen_flags: <defaults>
</compile_context>

<pallas_src>
import functools

import jax
import jax.numpy as jnp
from jax.experimental import pallas as pl
from jax.experimental.pallas import tpu as pltpu

_B, _GX, _GY, _GZ = 2, 180, 180, 5
_C = 256
_M = _B * _GX * _GY * _GZ

_BM = 256
_PK = 256


def _body(feat_hbm, seg_lo_ref, seg_hi_ref, inv_cnt_ref, w_ref,
          pstart_ref, pend_ref, out_ref, chunk_ref, sums_ref, sem,
          *, n_pts):
    i = pl.program_id(0)
    pstart = pstart_ref[i]
    pend = pend_ref[i]
    base = (pstart // 8) * 8
    nchunks = (pend - base + _PK - 1) // _PK

    sums_ref[...] = jnp.zeros_like(sums_ref)
    lo = seg_lo_ref[0]
    hi = seg_hi_ref[0]

    def chunk_body(j, carry):
        off = base + j * _PK
        off_c = jnp.minimum(off, n_pts - _PK)
        copy = pltpu.make_async_copy(
            feat_hbm.at[pl.ds(off_c, _PK), :], chunk_ref, sem)
        copy.start()
        copy.wait()
        pos = off_c + jax.lax.broadcasted_iota(jnp.int32, (_BM, _PK), 1)
        oh = ((pos >= lo) & (pos < hi) & (pos >= off)).astype(jnp.float32)
        sums_ref[...] += jnp.dot(oh.astype(jnp.bfloat16),
                                 chunk_ref[...].astype(jnp.bfloat16),
                                 preferred_element_type=jnp.float32)
        return carry

    jax.lax.fori_loop(0, nchunks, chunk_body, 0)

    pooled = sums_ref[...] * inv_cnt_ref[0]
    out_ref[...] = jnp.dot(pooled.astype(jnp.bfloat16),
                           w_ref[...].astype(jnp.bfloat16),
                           preferred_element_type=jnp.float32)


def kernel(feat, index, W):
    n_pts, c = feat.shape
    nblocks = -(-_M // _BM)
    m_pad = nblocks * _BM

    pos = jnp.arange(n_pts, dtype=jnp.int32)
    first = jnp.full((m_pad,), n_pts, jnp.int32).at[index].min(pos)
    last1 = jnp.zeros((m_pad,), jnp.int32).at[index].max(pos + 1)
    seg_lo = first.reshape(nblocks, _BM, 1)
    seg_hi = last1.reshape(nblocks, _BM, 1)
    inv_cnt = 1.0 / jnp.maximum(last1 - first, 1).astype(jnp.float32)
    inv_cnt = inv_cnt.reshape(nblocks, _BM, 1)
    pstart = jnp.min(first.reshape(nblocks, _BM), axis=1)
    pend = jnp.max(last1.reshape(nblocks, _BM), axis=1)

    dense = pl.pallas_call(
        functools.partial(_body, n_pts=n_pts),
        grid=(nblocks,),
        in_specs=[
            pl.BlockSpec(memory_space=pl.ANY),
            pl.BlockSpec((1, _BM, 1), lambda i: (i, 0, 0)),
            pl.BlockSpec((1, _BM, 1), lambda i: (i, 0, 0)),
            pl.BlockSpec((1, _BM, 1), lambda i: (i, 0, 0)),
            pl.BlockSpec((c, c), lambda i: (0, 0)),
            pl.BlockSpec(memory_space=pltpu.SMEM),
            pl.BlockSpec(memory_space=pltpu.SMEM),
        ],
        out_specs=pl.BlockSpec((_BM, c), lambda i: (i, 0)),
        out_shape=jax.ShapeDtypeStruct((m_pad, c), jnp.float32),
        scratch_shapes=[
            pltpu.VMEM((_PK, c), jnp.float32),
            pltpu.VMEM((_BM, c), jnp.float32),
            pltpu.SemaphoreType.DMA,
        ],
    )(feat, seg_lo, seg_hi, inv_cnt, W, pstart, pend)

    dense = dense[:_M].reshape(_B, _GX, _GY, _GZ, _C)
    return dense.transpose(0, 4, 3, 2, 1)

# --- scband reference (transcript-rebuilt; emitter-appended) ---
"""Pipeline reference for scband-ponder-outdoor-87385404604897 (READ-ONLY COPY).

The authoritative reference and input builder live on the scoring server;
editing this copy changes nothing except your own understanding.
"""

import jax, jax.numpy as jnp
import numpy as np

B = 2
GX, GY, GZ = 180, 180, 5
C = 256
N = 160000
M = B * GX * GY * GZ  # 324000 voxels total across batch


def setup_inputs(seed: int = 0) -> dict:
    key = jax.random.key(seed)
    k1, k2, k3 = jax.random.split(key, 3)
    feat = jax.random.normal(k1, (N, C), dtype=jnp.float32)
    # voxel index per point: batch_idx*GX*GY*GZ + x*GY*GZ + y*GZ + z, precomputed and sorted
    index = jnp.sort(jax.random.randint(k2, (N,), 0, M, dtype=jnp.int32))
    # stand-in for proj_net: dense channel projection applied to the pooled volume
    W = jax.random.normal(k3, (C, C), dtype=jnp.float32) * 0.02
    return {"feat": feat, "index": index, "W": W}


def reference(feat, index, W):
    # to_dense: scatter-mean of point features into dense voxel grid (pool_type='mean')
    sums = jax.ops.segment_sum(feat, index, num_segments=M)
    counts = jax.ops.segment_sum(jnp.ones((feat.shape[0],), dtype=feat.dtype), index, num_segments=M)
    dense = sums / jnp.clip(counts, 1.0)[:, None]
    # proj_net stand-in: per-voxel channel projection
    dense = dense @ W
    # view(B, *grid_shape, -1).permute(0, 4, 3, 2, 1)
    dense = dense.reshape(B, GX, GY, GZ, C).transpose(0, 4, 3, 2, 1)
    return dense

if __name__ == "__main__":
    import jax
    _d = setup_inputs()
    print(jax.jit(kernel)(*tuple(_d.values())))

</pallas_src>

<mosaic_0001>
module attributes {stable_mosaic.version = 14 : i64} {
  func.func @_body(%arg0: i32, %arg1: memref<160000x256xf32, #tpu.memory_space<any>>, %arg2: memref<1x256x1xi32, #tpu.memory_space<vmem>>, %arg3: memref<1x256x1xi32, #tpu.memory_space<vmem>>, %arg4: memref<1x256x1xf32, #tpu.memory_space<vmem>>, %arg5: memref<256x256xf32, #tpu.memory_space<vmem>>, %arg6: memref<1266xi32, #tpu.memory_space<smem>>, %arg7: memref<1266xi32, #tpu.memory_space<smem>>, %arg8: memref<256x256xf32, #tpu.memory_space<vmem>>, %arg9: memref<256x256xf32, #tpu.memory_space<vmem>>, %arg10: memref<256x256xf32, #tpu.memory_space<vmem>>, %arg11: memref<!tpu.dma_semaphore, #tpu.memory_space<semaphore_mem>>) attributes {dimension_semantics = [#tpu.dimension_semantics<arbitrary>], iteration_bounds = array<i64: 1266>, scalar_prefetch = 0 : i64, scratch_operands = 3 : i64, tpu.core_type = #tpu.core_type<tc>, window_params = [{}, {transform_indices = @transform_1, window_bounds = array<i64: 1, 256, 1>}, {transform_indices = @transform_2, window_bounds = array<i64: 1, 256, 1>}, {transform_indices = @transform_3, window_bounds = array<i64: 1, 256, 1>}, {pipeline_mode = #tpu.pipeline_mode<synchronous>, transform_indices = @transform_4, window_bounds = array<i64: 256, 256>}, {transform_indices = @transform_5, window_bounds = array<i64: 1266>}, {transform_indices = @transform_6, window_bounds = array<i64: 1266>}, {transform_indices = @transform_7, window_bounds = array<i64: 256, 256>}]} {
    %get3A = arith.index_cast %arg0 : i32 to index
    %get3A_0 = memref.load %arg6[%get3A] : memref<1266xi32, #tpu.memory_space<smem>>
    %get3A_1 = arith.index_cast %arg0 : i32 to index
    %get3A_2 = memref.load %arg7[%get3A_1] : memref<1266xi32, #tpu.memory_space<smem>>
    %jit3A = arith.constant 8 : i32
    %div3A = arith.divsi %get3A_0, %jit3A : i32
    %sign3A = arith.constant 0 : i32
    %sign3A_3 = arith.cmpi sgt, %get3A_0, %sign3A : i32
    %sign3A_4 = arith.extui %sign3A_3 : i1 to i32
    %sign3A_5 = arith.constant 0 : i32
    %sign3A_6 = arith.cmpi slt, %get3A_0, %sign3A_5 : i32
    %sign3A_7 = arith.extui %sign3A_6 : i1 to i32
    %sign3A_8 = arith.subi %sign3A_4, %sign3A_7 : i32
    %sign3A_9 = arith.constant 0 : i32
    %sign3A_10 = arith.cmpi sgt, %jit3A, %sign3A_9 : i32
    %sign3A_11 = arith.extui %sign3A_10 : i1 to i32
    %sign3A_12 = arith.constant 0 : i32
    %sign3A_13 = arith.cmpi slt, %jit3A, %sign3A_12 : i32
    %sign3A_14 = arith.extui %sign3A_13 : i1 to i32
    %sign3A_15 = arith.subi %sign3A_11, %sign3A_14 : i32
    %ne3A = arith.cmpi ne, %sign3A_8, %sign3A_15 : i32
    %rem3A = arith.remsi %get3A_0, %jit3A : i32
    %ne3A_16 = arith.constant 0 : i32
    %ne3A_17 = arith.cmpi ne, %rem3A, %ne3A_16 : i32
    %and3A = arith.andi %ne3A, %ne3A_17 : i1
    %sub3A = arith.constant 1 : i32
    %sub3A_18 = arith.subi %div3A, %sub3A : i32
    %select_n3A = arith.select %and3A, %sub3A_18, %div3A : i32
    %mul3A = arith.constant 8 : i32
    %mul3A_19 = arith.muli %select_n3A, %mul3A : i32
    %sub3A_20 = arith.subi %get3A_2, %mul3A_19 : i32
    %add3A = arith.constant 256 : i32
    %add3A_21 = arith.addi %sub3A_20, %add3A : i32
    %sub3A_22 = arith.constant 1 : i32
    %sub3A_23 = arith.subi %add3A_21, %sub3A_22 : i32
    %jit3A_24 = arith.constant 256 : i32
    %div3A_25 = arith.divsi %sub3A_23, %jit3A_24 : i32
    %sign3A_26 = arith.constant 0 : i32
    %sign3A_27 = arith.cmpi sgt, %sub3A_23, %sign3A_26 : i32
    %sign3A_28 = arith.extui %sign3A_27 : i1 to i32
    %sign3A_29 = arith.constant 0 : i32
    %sign3A_30 = arith.cmpi slt, %sub3A_23, %sign3A_29 : i32
    %sign3A_31 = arith.extui %sign3A_30 : i1 to i32
    %sign3A_32 = arith.subi %sign3A_28, %sign3A_31 : i32
    %sign3A_33 = arith.constant 0 : i32
    %sign3A_34 = arith.cmpi sgt, %jit3A_24, %sign3A_33 : i32
    %sign3A_35 = arith.extui %sign3A_34 : i1 to i32
    %sign3A_36 = arith.constant 0 : i32
    %sign3A_37 = arith.cmpi slt, %jit3A_24, %sign3A_36 : i32
    %sign3A_38 = arith.extui %sign3A_37 : i1 to i32
    %sign3A_39 = arith.subi %sign3A_35, %sign3A_38 : i32
    %ne3A_40 = arith.cmpi ne, %sign3A_32, %sign3A_39 : i32
    %rem3A_41 = arith.remsi %sub3A_23, %jit3A_24 : i32
    %ne3A_42 = arith.constant 0 : i32
    %ne3A_43 = arith.cmpi ne, %rem3A_41, %ne3A_42 : i32
    %and3A_44 = arith.andi %ne3A_40, %ne3A_43 : i1
    %sub3A_45 = arith.constant 1 : i32
    %sub3A_46 = arith.subi %div3A_25, %sub3A_45 : i32
    %select_n3A_47 = arith.select %and3A_44, %sub3A_46, %div3A_25 : i32
    %broadcast_in_dim3A = arith.constant 0.000000e+00 : f32
    %broadcast_in_dim3A_48 = vector.broadcast %broadcast_in_dim3A : f32 to vector<256x256xf32>
    %swap3A = arith.constant 0 : index
    %swap3A_49 = arith.constant 0 : index
    %swap3A_50 = vector.load %arg10[%swap3A, %swap3A_49] : memref<256x256xf32, #tpu.memory_space<vmem>>, vector<256x256xf32>
    tpu.vector_store %arg10[%swap3A, %swap3A_49], %broadcast_in_dim3A_48 {strides = array<i32>} : memref<256x256xf32, #tpu.memory_space<vmem>>, vector<256x256xf32>,
    %get3A_51 = arith.constant 0 : index
    %get3A_52 = arith.constant 0 : index
    %get3A_53 = arith.constant 0 : index
    %get3A_54 = vector.load %arg2[%get3A_51, %get3A_52, %get3A_53] : memref<1x256x1xi32, #tpu.memory_space<vmem>>, vector<1x256x1xi32>
    %get3A_55 = vector.shape_cast %get3A_54 : vector<1x256x1xi32> to vector<256x1xi32>
    %get3A_56 = arith.constant 0 : index
    %get3A_57 = arith.constant 0 : index
    %get3A_58 = arith.constant 0 : index
    %get3A_59 = vector.load %arg3[%get3A_56, %get3A_57, %get3A_58] : memref<1x256x1xi32, #tpu.memory_space<vmem>>, vector<1x256x1xi32>
    %get3A_60 = vector.shape_cast %get3A_59 : vector<1x256x1xi32> to vector<256x1xi32>
    %while3A = arith.constant 0 : i32
    %while3A_61 = arith.constant 0 : i32
    %while3A_62 = arith.subi %select_n3A_47, %while3A_61 : i32
    %while3A_63 = arith.addi %while3A_61, %while3A_62 : i32
    %while3A_64 = arith.constant 1 : i32
    %while3A_65 = arith.divsi %while3A_62, %while3A_64 : i32
    %while3A_66 = arith.muli %while3A_65, %while3A_64 : i32
    %while3A_67 = arith.addi %while3A_61, %while3A_66 : i32
    %while3A_68 = arith.constant 1 : i32
    scf.for %while3A_88 = %while3A_61 to %while3A_67 step %while3A_68  : i32 {
      %mul3A_89 = arith.constant 256 : i32
      %mul3A_90 = arith.muli %while3A_88, %mul3A_89 : i32
      %add3A_91 = arith.addi %mul3A_19, %mul3A_90 : i32
      %min3A = arith.constant 159744 : i32
      %min3A_92 = arith.minsi %add3A_91, %min3A : i32
      %dma_start3A = arith.constant 0 : i32
      %dma_start3A_93 = tpu.memref_slice %arg1[%min3A_92, %dma_start3A] : memref<160000x256xf32, #tpu.memory_space<any>> -> memref<256x256xf32, #tpu.memory_space<any>>
      tpu.enqueue_dma source(%dma_start3A_93 : memref<256x256xf32, #tpu.memory_space<any>>) target(%arg9 : memref<256x256xf32, #tpu.memory_space<vmem>>) target_semaphore(%arg11 : memref<!tpu.dma_semaphore, #tpu.memory_space<semaphore_mem>>)
      %dma_wait3A = arith.constant 0 : i32
      %dma_wait3A_94 = tpu.memref_slice %arg1[%min3A_92, %dma_wait3A] : memref<160000x256xf32, #tpu.memory_space<any>> -> memref<256x256xf32, #tpu.memory_space<any>>
      tpu.wait_dma2 semaphore(%arg11 : memref<!tpu.dma_semaphore, #tpu.memory_space<semaphore_mem>>) src(%dma_wait3A_94 : memref<256x256xf32, #tpu.memory_space<any>>) dst(%arg9 : memref<256x256xf32, #tpu.memory_space<vmem>>)
      %iota3A = tpu.iota {dimensions = array<i32: 1>} : vector<256x256xi32>
      %add3A_95 = vector.broadcast %min3A_92 : i32 to vector<256x256xi32>
      %add3A_96 = arith.addi %add3A_95, %iota3A : vector<256x256xi32>
      %ge3A = vector.broadcast %get3A_55 : vector<256x1xi32> to vector<256x256xi32>
      %ge3A_97 = arith.cmpi sge, %add3A_96, %ge3A : vector<256x256xi32>
      %lt3A = vector.broadcast %get3A_60 : vector<256x1xi32> to vector<256x256xi32>
      %lt3A_98 = arith.cmpi slt, %add3A_96, %lt3A : vector<256x256xi32>
      %and3A_99 = arith.andi %ge3A_97, %lt3A_98 : vector<256x256xi1>
      %ge3A_100 = vector.broadcast %add3A_91 : i32 to vector<256x256xi32>
      %ge3A_101 = arith.cmpi sge, %add3A_96, %ge3A_100 : vector<256x256xi32>
      %and3A_102 = arith.andi %and3A_99, %ge3A_101 : vector<256x256xi1>
      %convert_element_type3A_103 = arith.extui %and3A_102 : vector<256x256xi1> to vector<256x256xi32>
      %convert_element_type3A_104 = arith.sitofp %convert_element_type3A_103 : vector<256x256xi32> to vector<256x256xf32>
      %get3A_105 = arith.constant 0 : index
      %get3A_106 = arith.constant 0 : index
      %get3A_107 = vector.load %arg10[%get3A_105, %get3A_106] : memref<256x256xf32, #tpu.memory_space<vmem>>, vector<256x256xf32>
      %convert_element_type3A_108 = arith.truncf %convert_element_type3A_104 : vector<256x256xf32> to vector<256x256xbf16>
      %get3A_109 = arith.constant 0 : index
      %get3A_110 = arith.constant 0 : index
      %get3A_111 = vector.load %arg9[%get3A_109, %get3A_110] : memref<256x256xf32, #tpu.memory_space<vmem>>, vector<256x256xf32>
      %convert_element_type3A_112 = arith.truncf %get3A_111 : vector<256x256xf32> to vector<256x256xbf16>
      %dot_general3A_113 = arith.constant dense<0.000000e+00> : vector<256x256xf32>
      %dot_general3A_114 = tpu.matmul %convert_element_type3A_108, %convert_element_type3A_112, %dot_general3A_113 {dimension_numbers = #tpu.dot_dimension_numbers<[1], [0], [0], [1], [0, 0, 1, 1], [], []>, transpose_lhs_hint = false} : vector<256x256xbf16>, vector<256x256xbf16>, vector<256x256xf32> -> vector<256x256xf32>
      %add3A_115 = arith.addf %get3A_107, %dot_general3A_114 : vector<256x256xf32>
      %swap3A_116 = arith.constant 0 : index
      %swap3A_117 = arith.constant 0 : index
      %swap3A_118 = vector.load %arg10[%swap3A_116, %swap3A_117] : memref<256x256xf32, #tpu.memory_space<vmem>>, vector<256x256xf32>
      tpu.vector_store %arg10[%swap3A_116, %swap3A_117], %add3A_115 {strides = array<i32>} : memref<256x256xf32, #tpu.memory_space<vmem>>, vector<256x256xf32>,
    }
    %while3A_69 = arith.constant 1 : i32
    scf.for %while3A_88 = %while3A_67 to %while3A_63 step %while3A_69  : i32 {
      %mul3A_89 = arith.constant 256 : i32
      %mul3A_90 = arith.muli %while3A_88, %mul3A_89 : i32
      %add3A_91 = arith.addi %mul3A_19, %mul3A_90 : i32
      %min3A = arith.constant 159744 : i32
      %min3A_92 = arith.minsi %add3A_91, %min3A : i32
      %dma_start3A = arith.constant 0 : i32
      %dma_start3A_93 = tpu.memref_slice %arg1[%min3A_92, %dma_start3A] : memref<160000x256xf32, #tpu.memory_space<any>> -> memref<256x256xf32, #tpu.memory_space<any>>
      tpu.enqueue_dma source(%dma_start3A_93 : memref<256x256xf32, #tpu.memory_space<any>>) target(%arg9 : memref<256x256xf32, #tpu.memory_space<vmem>>) target_semaphore(%arg11 : memref<!tpu.dma_semaphore, #tpu.memory_space<semaphore_mem>>)
      %dma_wait3A = arith.constant 0 : i32
      %dma_wait3A_94 = tpu.memref_slice %arg1[%min3A_92, %dma_wait3A] : memref<160000x256xf32, #tpu.memory_space<any>> -> memref<256x256xf32, #tpu.memory_space<any>>
      tpu.wait_dma2 semaphore(%arg11 : memref<!tpu.dma_semaphore, #tpu.memory_space<semaphore_mem>>) src(%dma_wait3A_94 : memref<256x256xf32, #tpu.memory_space<any>>) dst(%arg9 : memref<256x256xf32, #tpu.memory_space<vmem>>)
      %iota3A = tpu.iota {dimensions = array<i32: 1>} : vector<256x256xi32>
      %add3A_95 = vector.broadcast %min3A_92 : i32 to vector<256x256xi32>
      %add3A_96 = arith.addi %add3A_95, %iota3A : vector<256x256xi32>
      %ge3A = vector.broadcast %get3A_55 : vector<256x1xi32> to vector<256x256xi32>
      %ge3A_97 = arith.cmpi sge, %add3A_96, %ge3A : vector<256x256xi32>
      %lt3A = vector.broadcast %get3A_60 : vector<256x1xi32> to vector<256x256xi32>
      %lt3A_98 = arith.cmpi slt, %add3A_96, %lt3A : vector<256x256xi32>
      %and3A_99 = arith.andi %ge3A_97, %lt3A_98 : vector<256x256xi1>
      %ge3A_100 = vector.broadcast %add3A_91 : i32 to vector<256x256xi32>
      %ge3A_101 = arith.cmpi sge, %add3A_96, %ge3A_100 : vector<256x256xi32>
      %and3A_102 = arith.andi %and3A_99, %ge3A_101 : vector<256x256xi1>
      %convert_element_type3A_103 = arith.extui %and3A_102 : vector<256x256xi1> to vector<256x256xi32>
      %convert_element_type3A_104 = arith.sitofp %convert_element_type3A_103 : vector<256x256xi32> to vector<256x256xf32>
      %get3A_105 = arith.constant 0 : index
      %get3A_106 = arith.constant 0 : index
      %get3A_107 = vector.load %arg10[%get3A_105, %get3A_106] : memref<256x256xf32, #tpu.memory_space<vmem>>, vector<256x256xf32>
      %convert_element_type3A_108 = arith.truncf %convert_element_type3A_104 : vector<256x256xf32> to vector<256x256xbf16>
      %get3A_109 = arith.constant 0 : index
      %get3A_110 = arith.constant 0 : index
      %get3A_111 = vector.load %arg9[%get3A_109, %get3A_110] : memref<256x256xf32, #tpu.memory_space<vmem>>, vector<256x256xf32>
      %convert_element_type3A_112 = arith.truncf %get3A_111 : vector<256x256xf32> to vector<256x256xbf16>
      %dot_general3A_113 = arith.constant dense<0.000000e+00> : vector<256x256xf32>
      %dot_general3A_114 = tpu.matmul %convert_element_type3A_108, %convert_element_type3A_112, %dot_general3A_113 {dimension_numbers = #tpu.dot_dimension_numbers<[1], [0], [0], [1], [0, 0, 1, 1], [], []>, transpose_lhs_hint = false} : vector<256x256xbf16>, vector<256x256xbf16>, vector<256x256xf32> -> vector<256x256xf32>
      %add3A_115 = arith.addf %get3A_107, %dot_general3A_114 : vector<256x256xf32>
      %swap3A_116 = arith.constant 0 : index
      %swap3A_117 = arith.constant 0 : index
      %swap3A_118 = vector.load %arg10[%swap3A_116, %swap3A_117] : memref<256x256xf32, #tpu.memory_space<vmem>>, vector<256x256xf32>
      tpu.vector_store %arg10[%swap3A_116, %swap3A_117], %add3A_115 {strides = array<i32>} : memref<256x256xf32, #tpu.memory_space<vmem>>, vector<256x256xf32>,
    }
    %get3A_70 = arith.constant 0 : index
    %get3A_71 = arith.constant 0 : index
    %get3A_72 = vector.load %arg10[%get3A_70, %get3A_71] : memref<256x256xf32, #tpu.memory_space<vmem>>, vector<256x256xf32>
    %get3A_73 = arith.constant 0 : index
    %get3A_74 = arith.constant 0 : index
    %get3A_75 = arith.constant 0 : index
    %get3A_76 = vector.load %arg4[%get3A_73, %get3A_74, %get3A_75] : memref<1x256x1xf32, #tpu.memory_space<vmem>>, vector<1x256x1xf32>
    %get3A_77 = vector.shape_cast %get3A_76 : vector<1x256x1xf32> to vector<256x1xf32>
    %mul3A_78 = vector.broadcast %get3A_77 : vector<256x1xf32> to vector<256x256xf32>
    %mul3A_79 = arith.mulf %get3A_72, %mul3A_78 : vector<256x256xf32>
    %convert_element_type3A = arith.truncf %mul3A_79 : vector<256x256xf32> to vector<256x256xbf16>
    %get3A_80 = arith.constant 0 : index
    %get3A_81 = arith.constant 0 : index
    %get3A_82 = vector.load %arg5[%get3A_80, %get3A_81] : memref<256x256xf32, #tpu.memory_space<vmem>>, vector<256x256xf32>
    %convert_element_type3A_83 = arith.truncf %get3A_82 : vector<256x256xf32> to vector<256x256xbf16>
    %dot_general3A = arith.constant dense<0.000000e+00> : vector<256x256xf32>
    %dot_general3A_84 = tpu.matmul %convert_element_type3A, %convert_element_type3A_83, %dot_general3A {dimension_numbers = #tpu.dot_dimension_numbers<[1], [0], [0], [1], [0, 0, 1, 1], [], []>, transpose_lhs_hint = false} : vector<256x256xbf16>, vector<256x256xbf16>, vector<256x256xf32> -> vector<256x256xf32>
    %swap3A_85 = arith.constant 0 : index
    %swap3A_86 = arith.constant 0 : index
    %swap3A_87 = vector.load %arg8[%swap3A_85, %swap3A_86] : memref<256x256xf32, #tpu.memory_space<vmem>>, vector<256x256xf32>
    tpu.vector_store %arg8[%swap3A_85, %swap3A_86], %dot_general3A_84 {strides = array<i32>} : memref<256x256xf32, #tpu.memory_space<vmem>>, vector<256x256xf32>,
    return
  }
  func.func @transform_1(%arg0: i32) -> (i32, i32, i32) {
    %c0_i32 = arith.constant 0 : i32
    %c0_i32_0 = arith.constant 0 : i32
    %c0_i32_1 = arith.constant 0 : i32
    return %arg0, %c0_i32, %c0_i32_0 : i32, i32, i32
  }
  func.func @transform_2(%arg0: i32) -> (i32, i32, i32) {
    %c0_i32 = arith.constant 0 : i32
    %c0_i32_0 = arith.constant 0 : i32
    %c0_i32_1 = arith.constant 0 : i32
    return %arg0, %c0_i32, %c0_i32_0 : i32, i32, i32
  }
  func.func @transform_3(%arg0: i32) -> (i32, i32, i32) {
    %c0_i32 = arith.constant 0 : i32
    %c0_i32_0 = arith.constant 0 : i32
    %c0_i32_1 = arith.constant 0 : i32
    return %arg0, %c0_i32, %c0_i32_0 : i32, i32, i32
  }
  func.func @transform_4(%arg0: i32) -> (i32, i32) {
    %c0_i32 = arith.constant 0 : i32
    %c0_i32_0 = arith.constant 0 : i32
    %c0_i32_1 = arith.constant 0 : i32
    return %c0_i32, %c0_i32_0 : i32, i32
  }
  func.func @transform_5(%arg0: i32) -> i32 {
    %c0_i32 = arith.constant 0 : i32
    %c0_i32_0 = arith.constant 0 : i32
    return %c0_i32 : i32
  }
  func.func @transform_6(%arg0: i32) -> i32 {
    %c0_i32 = arith.constant 0 : i32
    %c0_i32_0 = arith.constant 0 : i32
    return %c0_i32 : i32
  }
  func.func @transform_7(%arg0: i32) -> (i32, i32) {
    %c0_i32 = arith.constant 0 : i32
    %c0_i32_0 = arith.constant 0 : i32
    return %arg0, %c0_i32 : i32, i32
  }
}

</mosaic_0001>

<sc_bundles>
// kernel: scatter_offload_async_start.1
scs
__scs_entry_jumppad:
0x0: {  	(pc) =	sbr.rel $0x88, $3  }
0x1: {  	(tag) =	ssettag $0x0;
	lr =	simm.s32 $0x1  }
0x2: {  	[smem:$0x3F9E] =	sst lr;
	_ =	strace $0xD0000000  }
0x3: {  	_ = 	snop  }
0x4: {  	_ = 	snop  }
0x5: {  	_ = 	snop  }
0x6: {  	_ = 	snop  }
0x7: {  	_ = 	snop  }
__scs_overlays_trampoline_lowered:
0x8: {  	[smem:$0x3FAD] =	sst s0  }
0x9: {  	[smem:$0x3FAE] =	sst s1  }
0xa: {  	[smem:$0x3FAF] =	sst s2  }
0xb: {  	[smem:$0x3FB0] =	sst s3  }
0xc: {  	[smem:$0x3FB1] =	sst s4  }
0xd: {  	[smem:$0x3FB2] =	sst s5  }
0xe: {  	[smem:$0x3FB3] =	sst s6  }
0xf: {  	[smem:$0x3FB4] =	sst s7  }
0x10: {  	[smem:$0x3FB5] =	sst s8  }
0x11: {  	[smem:$0x3FB6] =	sst s9;
	s0 =	simm.s32 @!p0 $0x0  }
0x12: {  	s1 =	sld [smem:$0x3F9C];
	s0 =	simm.s32 @p0 $0x1  }
0x13: {  	[smem:$0x3FB7] =	sst s0;
	s0 =	simm.s32 @!p1 $0x0  }
0x14: {  	s2 =	sld [smem:$0x3F9B];
	s0 =	simm.s32 @p1 $0x1  }
0x15: {  	[smem:$0x3FB8] =	sst s0;
	s0 =	simm.s32 @!p2 $0x0  }
0x16: {  	s3 =	sld [smem:$0x3FDB];
	s0 =	simm.s32 @p2 $0x1  }
0x17: {  	s4 =	simm.s32 $0x1BF5;
	[smem:$0x3FBA] =	sst s0  }
0x18: {  	s0 =	sld [smem:$0x3F9D];
	_ =	swait.ge [sflag:s4], $0x0  }
0x19: {  	s7 =	sld [smem:$0x3F9E]  }
0x1a: {  	s8 =	sadd.s32 $0xFFFFE003, lr  }
0x1b: {  	s9 =	sadd.s32 $0xFFFFFEF7, lr;
	s5 =	simm.s32 $0xFFFFFFFF;
	p2 =	slt.u32 s8, $0xFFFFF086  }
0x1c: {  	p1 =	slt.u32 s9, $0xF7A;
	s5 =	simm.s32 @!p2 $0x0  }
0x1d: {  	s5 =	simm.s32 @p1 $0x1;
	p0 =	seq.s32 s7, s2  }
0x1e: {  	s7 =	smul.u32 @!p0 $0xF7A, s2;
	p2 =	seq.s32 @!p0 s5, $0x0  }
0x1f: {  	s9 =	smul.u32 $0xF7A, s1;
	s8 =	simm.s32 @!p0 $0x1BF5;
	p2 =	por !p2, p0  }
0x20: {  	[sflag:s8] =	ssyncset.s32 @!p0 $0xFFFFF086;
	s6 =	sadd.s32 @!p0 s3, s7;
	s7 =	simm.s32 @!p0 $0x108  }
0x21: {  	s3 =	sadd.s32 s3, s9;
	s6 =	sadd.s32 @!p0 $0x88, s6;
	s7 =	simm.s32 @p2 $0x1082  }
0x22: {  	[simem:s7], [sflag:s8] =	dma.local @!p0 [hbm:s6], $0xF7A  }
0x23: {  	s9 =	sor.u32 $0xD0000000, s2;
	s6 =	simm.s32 $0x108;
	_ =	swait.ge @!p0 [sflag:s8], $0x0  }
0x24: {  	s3 =	sadd.s32 $0x88, s3;
	s6 =	simm.s32 @!p1 $0x1082;
	[sflag:s4] =	ssyncset.s32 $0xFFFFF086  }
0x25: {  	[simem:s6], [sflag:s4] =	dma.local [hbm:s3], $0xF7A  }
0x26: {  	[smem:$0x3F9E] =	sst s1;
	(tag) =	ssettag s2;
	_ =	strace s9  }
0x27: {  	s1 =	sld [smem:$0x3FAE]  }
0x28: {  	s2 =	sld [smem:$0x3FAF]  }
0x29: {  	s4 =	sld [smem:$0x3FB1]  }
0x2a: {  	p0 =	seq.s32 s5, $0x0;
	s5 =	sld [smem:$0x3FB2]  }
0x2b: {  	s6 =	sld [smem:$0x3FB3]  }
0x2c: {  	s7 =	sld [smem:$0x3FB4]  }
0x2d: {  	s3 =	simm.s32 $0x108;
	s8 =	sld [smem:$0x3FB5]  }
0x2e: {  	s3 =	simm.s32 @!p0 $0x1082;
	s9 =	sld [smem:$0x3FB6]  }
0x2f: {  	lr =	sadd.s32 s0, s3;
	s0 =	sld [smem:$0x3FAD]  }
0x30: {  	s3 =	sld [smem:$0x3FB0]  }
0x31: {  	[smem:$0x3FB9] =	sst s10  }
0x32: {  	s10 =	sld [smem:$0x3FB7];
	_ =	sdelay $0x3  }
0x33: {  	p0 =	seq.s32 s10, $0x1;
	s10 =	sld [smem:$0x3FB9];
	_ =	sdelay $0x3  }
0x34: {  	[smem:$0x3FB9] =	sst s10  }
0x35: {  	s10 =	sld [smem:$0x3FB8];
	_ =	sdelay $0x3  }
0x36: {  	p1 =	seq.s32 s10, $0x1;
	s10 =	sld [smem:$0x3FB9];
	_ =	sdelay $0x3  }
0x37: {  	[smem:$0x3FB9] =	sst s10  }
0x38: {  	s10 =	sld [smem:$0x3FBA]  }
0x39: {  	_ = 	snop;
	(pc) =	sbr.ind lr, $3  }
0x3a: {  	_ = 	snop  }
0x3b: {  	_ = 	snop  }
0x3c: {  	p2 =	seq.s32 s10, $0x1;
	s10 =	sld [smem:$0x3FB9]  }
0x3d: {  	_ =	shalt  }
0x3e: {  	_ =	shalt  }
0x3f: {  	_ =	shalt  }
0x40: {  	_ =	shalt  }
0x41: {  	_ =	shalt  }
0x42: {  	_ =	shalt  }
0x43: {  	_ =	shalt  }
0x44: {  	_ =	shalt  }
0x45: {  	_ =	shalt  }
0x46: {  	_ =	shalt  }
0x47: {  	_ =	shalt  }
0x48: {  	_ =	shalt  }
0x49: {  	_ =	shalt  }
0x4a: {  	_ =	shalt  }
0x4b: {  	_ =	shalt  }
0x4c: {  	_ =	shalt  }
0x4d: {  	_ =	shalt  }
0x4e: {  	_ =	shalt  }
0x4f: {  	_ =	shalt  }
0x50: {  	_ =	shalt  }
0x51: {  	_ =	shalt  }
0x52: {  	_ =	shalt  }
0x53: {  	_ =	shalt  }
0x54: {  	_ =	shalt  }
0x55: {  	_ =	shalt  }
0x56: {  	_ =	shalt  }
0x57: {  	_ =	shalt  }
0x58: {  	_ =	shalt  }
0x59: {  	_ =	shalt  }
0x5a: {  	_ =	shalt  }
0x5b: {  	_ =	shalt  }
0x5c: {  	_ =	shalt  }
0x5d: {  	_ =	shalt  }
0x5e: {  	_ =	shalt  }
0x5f: {  	_ =	shalt  }
0x60: {  	_ =	shalt  }
0x61: {  	_ =	shalt  }
0x62: {  	_ =	shalt  }
0x63: {  	_ =	shalt  }
0x64: {  	_ =	shalt  }
0x65: {  	_ =	shalt  }
0x66: {  	_ =	shalt  }
0x67: {  	_ =	shalt  }
0x68: {  	_ =	shalt  }
0x69: {  	_ =	shalt  }
0x6a: {  	_ =	shalt  }
0x6b: {  	_ =	shalt  }
0x6c: {  	_ =	shalt  }
0x6d: {  	_ =	shalt  }
0x6e: {  	_ =	shalt  }
0x6f: {  	_ =	shalt  }
0x70: {  	_ =	shalt  }
0x71: {  	_ =	shalt  }
0x72: {  	_ =	shalt  }
0x73: {  	_ =	shalt  }
0x74: {  	_ =	shalt  }
0x75: {  	_ =	shalt  }
0x76: {  	_ =	shalt  }
0x77: {  	_ =	shalt  }
0x78: {  	_ =	shalt  }
0x79: {  	_ =	shalt  }
0x7a: {  	_ =	shalt  }
0x7b: {  	_ =	shalt  }
0x7c: {  	_ =	shalt  }
0x7d: {  	_ =	shalt  }
0x7e: {  	_ =	shalt  }
0x7f: {  	_ =	shalt  }
0x80: {  	_ =	shalt  }
0x81: {  	_ =	shalt  }
0x82: {  	_ =	shalt  }
0x83: {  	_ =	shalt  }
0x84: {  	_ =	shalt  }
0x85: {  	_ =	shalt  }
0x86: {  	_ =	shalt  }
0x87: {  	_ =	shalt  }
.Lfunc_end0:
.L_simem_size_0:
called_computation.1_lowered:
.L_overlay_start_0:
0x88: {  	s0 =	sld [smem:$0x3FD9]  }
0x89: {  	s1 =	sld [smem:$0x3FFE];
	_ =	sdelay $0x3  }
0x8a: {  	s0 =	sadd.s32 s1, s0  }
0x8b: {  	[smem:$0x3FC5] =	sst s0  }
0x8c: {  	_ = 	snop  }
0x8d: {  	(tm) =	ssettm $0x1  }
0x8e: {  	s15 =	sld [smem:$0x3FFB];
	_ =	sdelay $0x3  }
0x8f: {  	_ =	strace s15  }
0x90: {  	s0 =	sld [smem:$0x3FFC];
	_ =	sdelay $0x3  }
0x91: {  	_ =	strace s0  }
0x92: {  	s0 =	sld [smem:$0x3FFD];
	_ =	sdelay $0x3  }
0x93: {  	_ =	strace s0  }
0x94: {  	_ =	strace $0x8FFFFFFF  }
0x95: {  	s16 =	sld [smem:$0x3FDB];
	_ =	sdelay $0x1  }
0x96: {  	s17 =	simm.s32 $_scs_section_size  }
0x97: {  	s2 =	simm.s32 $_size__tile_overlayer_lowered;
	s3 =	simm.s32 $_tile_overlayer_lowered  }
0x98: {  	s20 =	simm.s32 $0x1BFF;
	s19 =	sshll.u32 s3, $0x1;
	s0 =	sadd.s32 s17, s16  }
0x99: {  	s4 =	simm.s32 $0x0;
	s18 =	sshll.u32 s2, $0x1;
	s2 =	sadd.s32 s19, s0  }
0x9a: {  	[timem:s4], [sflag:s20] =	dma.local [hbm:s2], s18  }
0x9b: {  	_ =	swait.ge [sflag:s20], s18  }
0x9c: {  	s1 =	ssub.s32 $0x0, s18;
	[sflag:s20] =	ssyncset.done $0x0  }
0x9d: {  	[sflag:s20] =	ssyncadd.s32 s1;
	_ =	sdelay $0x1  }
0x9e: {  	s21 =	simm.s32 $0x1B8B  }
0x9f: {  	_ =	swait.ge [sflag:s21], $0x1  }
0xa0: {  	[sflag:s21] =	ssyncset.done $0x0  }
0xa1: {  	s23 =	simm.s32 $0x1B8E;
	s22 =	sld [smem:$0x3FFE];
	[sflag:s21] =	ssyncadd.s32 $0xFFFFFFFF  }
0xa2: {  	s24 =	simm.s32 $execute0_lowered;
	[smem:$0x3FD2] =	sst s23  }
0xa3: {  	s2 =	sshll.u32 s24, $0x1;
	_ =	strace $0x80000049;
	[dreg:$0x1] =	wrdreg $0xFFFFFFFF  }
0xa4: {  	s25 =	simm.s32 $_size_execute0_lowered;
	s0 =	sadd.s32 s0, s2;
	[dreg:$0x0] =	wrdreg $0x0  }
0xa5: {  	s2 =	sshll.u32 s25, $0x1;
	[dreg:$0x2] =	wrdreg s0  }
0xa6: {  	[dreg:$0x3] =	wrdreg s2  }
0xa7: {  	[dreg:$0x4] =	wrdreg $0xC0  }
0xa8: {  	_ =	task [dreg:s4], $0x5FFFF  }
0xa9: {  	[dreg:$0x1] =	wrdreg $0xFFFFFFFF  }
0xaa: {  	[dreg:$0x0] =	wrdreg $0x60  }
0xab: {  	[dreg:$0x2] =	wrdreg s22  }
0xac: {  	[dreg:$0x3] =	wrdreg $0xA  }
0xad: {  	_ =	task.clear_ibuf [dreg:s4], $0x4FFFF;
	_ =	strace $0x90000049  }
0xae: {  	s26 =	simm.s32 $0xA;
	_ =	strace $0x8000004B  }
0xaf: {  	_ =	swait.ge [sflag:s26], $0x1  }
0xb0: {  	[sflag:s26] =	ssyncadd.s32 $0xFFFFFFFF  }
0xb1: {  	_ =	strace $0x9000004B  }
0xb2: {  	_ =	sfence  }
0xb3: {  	s28 =	sld [smem:$0x0];
	_ =	sdelay $0x1  }
0xb4: {  	s29 =	srdreg.scid  }
0xb5: {  	s30 =	sshll.u32 s29, $0xD;
	s31 =	sshrl.u32 s29, $0x2  }
0xb6: {  	s1 =	sand.u32 $0x1, s29;
	s2 =	sand.u32 $0x4000, s30;
	s0 =	sadd.s32 s31, s28  }
0xb7: {  	s1 =	sor.u32 s2, s1;
	s0 =	sshll.u32 s0, $0x11  }
0xb8: {  	s0 =	sor.u32 s0, s1  }
0xb9: {  	s0 =	sadd.s32 $0x8F2B, s0  }
0xba: {  	[sflag:s0] =	ssyncadd.remote.s32 $0x1  }
0xbb: {  	_ =	sfence.sel $0xFFFF  }
0xbc: {  	[dreg:$0x0] =	wrdreg $0xFFFFFFFF;
	(pc) =	sbr.abs _section_cstart, $3  }
0xbd: {  	[dreg:$0x1] =	wrdreg $0xFFFFFFFF  }
0xbe: {  	_ =	task.clear_ibuf [dreg:s4], $0x2FFFF;
	_ =	strace $0x9FFFFFFF  }
0xbf: {  	(tm) =	ssettm $0x7FFFFFFF  }
tec
execute0_lowered:
.L_overlay_start_1:
0x0: {  	(tag) =	ssettag $0x1  }
0x1: {  	s6 =	rddreg [dreg:$0x0];
	s14 =	stileid.u32  }
0x2: {  	_ =	strace $0x8000004A;
	s0 =	simm.s32 $0x1;
	s1 =	smin.u32 s14, $0x4  }
0x3: {  	v1 =	vimm.s32 $0xFFFFFFFF;
	[sflag:s0] =	ssyncpa.u1 $0x0;
	s1 =	sadd.s32 s14, s1  }
0x4: {  	p0 =	slt.u32 s14, $0x4;
	[tilespmem:$0x10] =	vst v1;
	s4 =	smul.u32 $0x1F40, s1;
	s1 =	simm.s32 $0x3E80  }
0x5: {  	v0 =	vimm.s32 $0x80000000;
	[tilespmem:$0x20] =	vst v1;
	s1 =	simm.s32 @!p0 $0x1F40  }
0x6: {  	[tilespmem:$0x30] =	vst v0;
	s1 =	sadd.s32 s1, s4  }
0x7: {  	[tilespmem:$0x40] =	vst v0;
	s5 =	smin.u32 s1, $0x27100  }
0x8: {  	s7 =	simm.s32 $0x2;
	s8 =	simm.s32 $0x8;
	[tilespmem:$0x50] =	vst v0;
	s2 =	ssub.s32 s5, s4  }
0x9: {  	s31 =	simm.s32 $0x9;
	s16 =	simm.s32 $0x0;
	[tilespmem:$0x60] =	vst v1;
	p0 =	sgt.s32 s2, $0x0  }
0xa: {  	s17 =	simm.s32 $0xF0;
	s18 =	simm.s32 $0xFFFFFFFF;
	[tilespmem:$0x70] =	vst v1;
	s2 =	simm.s32 @!p0 $0x0  }
0xb: {  	s19 =	simm.s32 $0xFFFFC280;
	s20 =	simm.s32 $0xFFFFFFFE;
	[tilespmem:$0x80] =	vst v1;
	s30 =	smulhi.u32 $0x10624DD3, s2  }
0xc: {  	s21 =	simm.s32 $0xF;
	s25 =	simm.s32 $0x0;
	s10 =	sshll.u32 s14, $0x1;
	v1 =	vimm.s32 $0x0;
	[tilespmem:$0xB0] =	vst v0  }
0xd: {  	s24 =	simm.s32 $0x0;
	s13 =	sor.u32 $0x81, s10;
	[tilespmem:$0x90] =	vst v1;
	s3 =	sshrl.u32 s30, $0x9  }
0xe: {  	[tilespmem:$0xA0] =	vst v1;
	[sflag:s7] =	ssyncpa.u1 $0x0;
	s7 =	simm.s32 $0x7;
	s9 =	smul.u32 $0x1F40, s3  }
.Ltmp0:
0xf: {  	s14 =	sshllo.u32 s14, $0x1;
	[sflag:s7] =	ssyncpa.u1 $0x0;
	(pc) =	sbr.rel .LBB2_1-.Ltmp0, $4  }
0x10: {  	s15 =	sor.u32 $0x80, s10;
	[sflag:s8] =	ssyncpa.u1 $0x0;
	p0 =	sne.s32 s2, s9  }
0x11: {  	s23 =	smov.u32 s4;
	s1 =	sadd.s32 $0x14000, s6;
	s0 =	simm.s32 @!p0 $0x0  }
0x12: {  	vm0 =	vmmov $0xffff;
	v2 =	vlaneseq.u32;
	s6 =	sadd.s32 $0x5000, s6;
	[sflag:s31] =	ssyncpa.u1 $0x0;
	s9 =	sadd.s32 s0, s3  }
0x13: {  	vm1 =	vmxor vm1, vm1;
	vm2 =	vmmov $0x1;
	vm3 =	vcmask $0x3F3C;
	p0 =	por $0x0, $0x0;
	s11 =	sadd.s32 $0x1, s9;
	s12 =	sadd.s32 $0x2, s9  }
.LBB2_9:
0x14: {  	p1 =	slt.u32 s24, $0x3  }
0x15: {  	s0 =	simm.s32 @!p1 $0x2  }
0x16: {  	_ =	swait.ge @!p1 [sflag:s0], $0x1F40  }
0x17: {  	[sflag:s0] =	ssyncset.done @!p1 $0x0  }
0x18: {  	[sflag:s0] =	ssyncadd.s32 @!p1 $0xFFFFE0C0;
	s0 =	simm.s32 @!p1 $0x9  }
0x19: {  	_ =	swait.ge @!p1 [sflag:s0], $0x10  }
0x1a: {  	[sflag:s0] =	ssyncset.done @!p1 $0x0  }
0x1b: {  	[sflag:s0] =	ssyncadd.s32 @!p1 $0xFFFFFFF0;
	p1 =	sne.s32 s24, s12  }
.Ltmp1:
0x1c: {  	s2 =	sadd.s32 $0x1F40, s23;
	(pc) =	sbr.rel @!p1 .LBB2_10-.Ltmp1, $4  }
0x1d: {  	s3 =	smov.u32 s4;
	s31 =	sadd.s32 $0x1, s24;
	s17 =	sadd.s32 $0x1F40, s17  }
0x1e: {  	s18 =	sadd.s32 $0x1, s18;
	s25 =	smov.u32 s23;
	p2 =	slt.s32 s2, s5  }
0x1f: {  	p0 =	por !p0, !p0;
	s19 =	sadd.s32 $0x1F40, s19;
	s3 =	smov.u32 @p2 s2  }
0x20: {  	s20 =	sadd.s32 $0x1, s20;
	s23 =	smov.u32 s3;
	s24 =	smov.u32 s31  }
.LBB2_1:
0x21: {  	p1 =	sge.u32 s24, s9  }
0x22: {  	s0 =	smulhi.u32 @!p1 $0xAAAAAAAB, s24;
	_ =	sdelay $0x1  }
0x23: {  	s0 =	sshrl.u32 @!p1 s0, $0x1  }
0x24: {  	s0 =	smul.u32 @!p1 $0x3, s0;
	_ =	sdelay $0x1  }
0x25: {  	s0 =	ssub.s32 @!p1 s24, s0  }
0x26: {  	s0 =	smul.u32 @!p1 $0x7D00, s0;
	_ =	sdelay $0x1  }
0x27: {  	s3 =	rddreg [dreg:$0x0];
	s2 =	sshrl.u32 @!p1 s23, $0x3;
	s0 =	sshrl.u32 @!p1 s0, $0x2  }
0x28: {  	s2 =	sadd.s32 @!p1 s3, s2;
	s3 =	sand.u32 @!p1 $0x7, s23;
	s0 =	sadd.s32 @!p1 $0x100, s0  }
0x29: {  	[tilespmem:s0], [sflag:$0x7] =	stream.linear.gather @!p1 [hbm4b:s2+s3], $0x1F40, $0x38;
	[tilespmem:$0x11A60] =	vst v63  }
0x2a: {  	s0 =	sadd.s32 $0xFFFFFFFF, s24  }
0x2b: {  	p1 =	sge.u32 s0, s9  }
.Ltmp2:
0x2c: {  	_ = 	snop;
	(pc) =	sbr.rel @p1 .LBB2_5-.Ltmp2, $1  }
0x2d: {  	_ =	sdelay $0x3  }
0x2e: {  	s2 =	smulhi.u32 $0xAAAAAAAB, s0;
	_ =	sdelay $0x1  }
0x2f: {  	s2 =	sshrl.u32 s2, $0x1  }
0x30: {  	s2 =	smul.u32 $0x3, s2;
	_ =	sdelay $0x1  }
0x31: {  	s2 =	ssub.s32 s0, s2  }
0x32: {  	s2 =	smul.u32 $0x7D00, s2  }
0x33: {  	_ =	swait.ge [sflag:s7], $0x1F40  }
0x34: {  	[sflag:s7] =	ssyncset.done $0x0;
	s2 =	sshrl.u32 s2, $0x2  }
0x35: {  	[sflag:s7] =	ssyncadd.s32 $0xFFFFE0C0;
	(ifvalue) =	ssetifvalue $0xFFFFFFFF;
	v3 =	vld.msk [tilespmem:s2+$0x100 ss:$0x1], $0xffff;
	_ =	sdelay $0x2  }
0x36: {  	s30 =	smulhi.u32 $0xAAAAAAAB, s18;
	p1 =	sne.s32 s24, $0x1  }
0x37: {  	v4 =	vimm.s32 @!p1 $0x0  }
0x38: {  	s2 =	sshrl.u32 s30, $0x1;
	v4 =	vperm.xlane @!p1 v3, v4  }
0x39: {  	s3 =	sshll.u32 s24, $0x4;
	s2 =	smul.u32 $0xFFFE8900, s2;
	vm4 =	vlt.u32 v3, $0x4F400  }
0x3a: {  	s3 =	sand.u32 $0x10, s3;
	v3 =	vnsel vm4, $0xFFFFFFFE, v3;
	vm4 =	vlt.u32 @!p1 v4, $0x4F400  }
0x3b: {  	s2 =	sshra.s32 s2, $0x2;
	[tilespmem:s3+$0x60] =	vst v3;
	v3 =	vnsel @!p1 vm4, $0xFFFFFFFE, v4  }
0x3c: {  	s26 =	sadd.s32 s2, s17;
	[tilespmem:$0x80] =	vst @!p1 v3  }
0x3d: {  	v3 =	vld.msk [tilespmem:s26+$0x0 ss:$0x1], $0xffff;
	_ =	sdelay $0x4  }
0x3e: {  	(xrf1) =	vunique.msk.u32 $0xffff, v3;
	_ =	sdelay $0xd  }
0x3f: {  	v4 =	vimm.s32 $0xFFFFFFFF;
	v5, _, _ =	vpop (xrf1)  }
0x40: {  	vm5 =	vne.s32 v3, v4;
	vm4 =	veq.s32 v5, v2  }
0x41: {  	vm6 =	vlt.u32 v3, $0x4F400;
	vm4 =	vmand vm5, vm4  }
0x42: {  	vm4 =	vmand vm6, vm4  }
0x43: {  	v4 =	vnsel vm4, $0xFFFFFFFF, v3  }
0x44: {  	s31 =	sand.u32 $0x1, s0  }
0x45: {  	s0 =	simm.s32 $0x1F40;
	p1 =	seq.s32 s31, $0x1  }
0x46: {  	s0 =	simm.s32 @!p1 $0x0  }
0x47: {  	s2 =	sadd.s32 $0x7DF0, s0;
	(ifvalue) =	ssetifvalue $0xFFFFFFFF  }
0x48: {  	v3 =	vperm.xlane v3, v1;
	[tilespmem:s2], [sflag:$0x8] =	stream.indirect_vreg.gather [hbm4b:s1+s16], $0x1, v4, vm0, $0x4038;
	v4 =	vnsel vm6, $0xFFFFFFFE, v4;
	[tilespmem:$0x11A60] =	vst v63  }
0x49: {  	s22 =	sadd.s32 $0xFFFFFFF0, s26;
	s3 =	simm.s32 $0x0;
	[tilespmem:s26+$0x0] =	vst v4  }
.LBB2_3:
0x4a: {  	v4 =	vld.msk [tilespmem:s22+$0x0 ss:$0x1], $0xffff;
	s3 =	sadd.s32 $0x10, s3;
	v5 =	vmov v3;
	s26 =	smov.u32 s22  }
0x4b: {  	p1 =	slt.u32 s3, $0x1F30;
	_ =	sdelay $0x4  }
0x4c: {  	v3 =	vperm.xlane v4, v1;
	(xrf1) =	vunique.msk.u32 $0xffff, v4;
	_ =	sdelay $0xd  }
0x4d: {  	v6, _, _ =	vpop (xrf1)  }
0x4e: {  	vm5 =	vne.s32 v4, v5;
	vm4 =	veq.s32 v6, v2  }
0x4f: {  	vm6 =	vlt.u32 v4, $0x4F400;
	vm4 =	vmand vm5, vm4  }
0x50: {  	vm4 =	vmand vm6, vm4  }
0x51: {  	v4 =	vnsel vm4, $0xFFFFFFFF, v4  }
.Ltmp3:
0x52: {  	v5 =	vnsel vm6, $0xFFFFFFFE, v4;
	(pc) =	sbr.rel @p1 .LBB2_3-.Ltmp3, $3  }
0x53: {  	_ =	sdelay $0x1  }
0x54: {  	s22 =	sadd.s32 $0xFFFFFFF0, s22;
	s2 =	sadd.s32 $0xFFFFFFF0, s2;
	(ifvalue) =	ssetifvalue $0xFFFFFFFF  }
0x55: {  	[tilespmem:s2], [sflag:$0x8] =	stream.indirect_vreg.gather [hbm4b:s1+s16], $0x1, v4, vm0, $0x4038;
	[tilespmem:s26+$0x0] =	vst v5  }
0x56: {  	s2 =	sshrl.u32 s25, $0x3  }
0x57: {  	s0 =	sadd.s32 $0x9D40, s0;
	s2 =	sadd.s32 s6, s2  }
0x58: {  	[tilespmem:s0], [sflag:$0x8] =	stream.linear.gather [hbm:s2], $0x1F40, $0x38;
	[tilespmem:$0x11A60] =	vst v63  }
.LBB2_5:
0x59: {  	p1 =	slt.u32 s24, $0x2  }
0x5a: {  	p2 =	sge.u32 @!p1 s24, s12  }
0x5b: {  	p1 =	por p1, p2  }
.Ltmp4:
0x5c: {  	_ = 	snop;
	(pc) =	sbr.rel @p1 .LBB2_9-.Ltmp4, $1  }
0x5d: {  	_ =	sdelay $0x3  }
0x5e: {  	s0 =	sadd.s32 $0xFFFFFFFE, s24  }
0x5f: {  	s2 =	smulhi.u32 $0xAAAAAAAB, s0;
	_ =	sdelay $0x1  }
0x60: {  	s2 =	sshrl.u32 s2, $0x1  }
0x61: {  	s2 =	smul.u32 $0x3, s2;
	_ =	sdelay $0x1  }
0x62: {  	s0 =	ssub.s32 s0, s2  }
0x63: {  	_ =	swait.ge [sflag:s8], $0x3E80;
	s0 =	smul.u32 $0x1F40, s0  }
0x64: {  	p1 =	sne.s32 s24, s11;
	[sflag:s8] =	ssyncset.done $0x0  }
0x65: {  	[sflag:s8] =	ssyncadd.s32 $0xFFFFC180;
	s2 =	sadd.s32 @!p1 $0x203F, s0  }
0x66: {  	[spmem:s13] =	stream.linear.scatter @!p1 [tilespmem:s2], [sflag:$0x1], $0x1, $0x38;
	[tilespmem:$0x11A60] =	vst v63  }
0x67: {  	s2 =	simm.s32 @!p1 $0x1  }
0x68: {  	_ =	swait.ge @!p1 [sflag:s2], $0x1  }
0x69: {  	s3 =	sshll.u32 s24, $0x4;
	[sflag:s2] =	ssyncset.done @!p1 $0x0  }
0x6a: {  	s25 =	sand.u32 $0x10, s3;
	[sflag:s2] =	ssyncadd.s32 @!p1 $0xFFFFFFFF  }
0x6b: {  	s2 =	sxor.u32 $0x10, s25;
	v4 =	vld [tilespmem:s25+$0x10]  }
0x6c: {  	v5 =	vld [tilespmem:s2+$0x60]  }
0x6d: {  	v3 =	vld [tilespmem:$0x80];
	_ =	sdelay $0x2  }
0x6e: {  	(v2sf) =	vpush v4, $0x0  }
0x6f: {  	(v2sf) =	vpush v5, $0x0  }
0x70: {  	(v2sf) =	vpush v3, $0x0;
	_ =	sdelay $0xc  }
0x71: {  	s26 =	spop (v2sf)  }
0x72: {  	s22 =	spop (v2sf)  }
0x73: {  	s28 =	spop (v2sf)  }
0x74: {  	p3 =	seq.s32 s26, s22;
	p2 =	seq.s32 s28, s26  }
0x75: {  	p2 =	por p3, p2  }
0x76: {  	s26 =	sand.u32 $0x1, s24;
	v4 =	vpsel p2, $0xFFFFFFFF, v4  }
0x77: {  	s29 =	smul.u32 $0x1F40, s26;
	[tilespmem:s25+$0x10] =	vst.msk $0x1, v4  }
0x78: {  	v4 =	vld [tilespmem:$0x30]  }
0x79: {  	v5 =	vld [tilespmem:s29+$0x9D40]  }
0x7a: {  	v6 =	vld [tilespmem:s25+$0x40];
	_ =	sdelay $0x3  }
0x7b: {  	vm4 =	vmmov vm1;
	vm6 =	vmmov vm2;
	vm5 =	vgt.s32 v4, v5  }
0x7c: {  	vm4 =	vmmov @p3 vm2;
	s3 =	sshll.u32 s26, $0x4;
	v5 =	vsel vm5, v4, v5;
	vm5 =	vgt.s32 v4, v6  }
0x7d: {  	vm6 =	vmmov @p2 vm1;
	s26 =	sor.u32 $0x11A40, s3;
	v4 =	vsel vm5, v4, v6;
	[tilespmem:s29+$0x9D40] =	vst.msk vm4, v5  }
0x7e: {  	[tilespmem:s26+$0x0] =	vst.msk vm6, v4  }
0x7f: {  	v4 =	vld [tilespmem:s29+$0x7DF0];
	_ =	sdelay $0x4  }
0x80: {  	v4 =	vshift.insert v4, v1, s21  }
0x81: {  	s22 =	sor.u32 $0x40, s2  }
0x82: {  	v5 =	vimm.s32 $0x80000000;
	[tilespmem:s22+$0x0] =	vst.msk $0x1, v4  }
0x83: {  	[tilespmem:s29+$0x7DFF] =	vst.msk $0x1, v5  }
0x84: {  	v4 =	vld [tilespmem:s0+$0x2030];
	_ =	sdelay $0x1  }
0x85: {  	s0 =	simm.s32 $0x1  }
0x86: {  	s22 =	smulhi.u32 $0xAAAAAAAB, s20;
	s0 =	simm.s32 @!p0 $0x0  }
0x87: {  	s0 =	smul.u32 $0x7D00, s0  }
0x88: {  	s3 =	sshrl.u32 s22, $0x1;
	v4 =	vshift.insert v4, v1, s21  }
0x89: {  	s3 =	smul.u32 $0xFFFE8900, s3;
	s0 =	sshrl.u32 s0, $0x2  }
0x8a: {  	s22 =	sadd.s32 $0x9D40, s0;
	[tilespmem:s2+$0x10] =	vst.msk $0x1, v4  }
0x8b: {  	s3 =	sshra.s32 s3, $0x2;
	v6 =	vld [tilespmem:s22+$0x0]  }
0x8c: {  	s2 =	sadd.s32 s3, s19  }
0x8d: {  	v7 =	vld [tilespmem:s2+$0x0];
	_ =	sdelay $0x2  }
0x8e: {  	vm4 =	vgt.s32 v6, v5  }
0x8f: {  	v5 =	vsel vm4, v6, v5  }
0x90: {  	vm4 =	vne.s32 v7, $0xFFFFFFFF;
	v5 =	vxor.u32 $0x80000000, v5  }
0x91: {  	(xrf0) =	vmax.seg.scan.u32 vm4, v5  }
0x92: {  	s3 =	sadd.s32 $0x5EC0, s0  }
0x93: {  	v8 =	vld [tilespmem:s3+$0x0]  }
0x94: {  	v6 =	vld [tilespmem:$0xA0];
	_ =	sdelay $0x2  }
0x95: {  	v5 =	vperm.xlane v4, v1;
	v9, _, _ =	vpop (xrf0)  }
0x96: {  	vm6 =	veq.s32 v7, v3;
	v9 =	vxor.u32 $0x80000000, v9  }
0x97: {  	vm8 =	veq.s32 v7, v5;
	vm5 =	veq.s32 v6, $0x1;
	vm7 =	vgt.s32 v9, v8  }
0x98: {  	vm8 =	vmor vm8, vm6;
	v6 =	vsel vm7, v9, v8;
	vm7 =	vgt.u32 v7, $0xFFFFFFFD  }
0x99: {  	v10 =	vld [tilespmem:$0x90];
	vm9 =	vmand vm4, vm3;
	vm4 =	vmor vm5, vm6;
	vm5 =	vmor vm8, vm7  }
0x9a: {  	v8 =	vsel vm5, $0xFFFFFFFF, v7;
	_ =	sdelay $0x1  }
0x9b: {  	s31 =	simm.s32 $0x0  }
0x9c: {  	s30 =	sadd.s32 $0xDBC0, s0;
	s0 =	sadd.s32 $0x10, s22;
	s2 =	sadd.s32 $0x10, s2;
	v11 =	vsel vm9, $0x80000000, v9;
	v6 =	vsel vm6, v9, v6  }
0x9d: {  	s22 =	sadd.s32 $0x10, s30;
	s3 =	sadd.s32 $0x10, s3;
	[tilespmem:s30+$0x0] =	vst v6;
	v6 =	vsel vm6, v9, v10;
	v7 =	vshift.insert v11, v0, s21;
	(ifvalue) =	ssetifvalue $0xFFFFFFFF  }
.LBB2_7:
0x9e: {  	[hbm4b:s1+s16] =	stream.indirect_vreg.scatter [tilespmem:s30], [sflag:$0x2], $0x1, v8, vm0, $0x4038;
	[tilespmem:$0x11A60] =	vst v63  }
0x9f: {  	s31 =	sadd.s32 $0x10, s31;
	s30 =	smov.u32 s22;
	v8 =	vld [tilespmem:s0+$0x0]  }
0xa0: {  	p2 =	slt.u32 s31, $0x1F30  }
0xa1: {  	v9 =	vld [tilespmem:s2+$0x0];
	_ =	sdelay $0x2  }
0xa2: {  	vm5 =	vgt.s32 v8, v7  }
0xa3: {  	v7 =	vsel vm5, v8, v7  }
0xa4: {  	vm5 =	vne.s32 v9, $0xFFFFFFFF;
	v7 =	vxor.u32 $0x80000000, v7  }
0xa5: {  	(xrf0) =	vmax.seg.scan.u32 vm5, v7;
	_ =	sdelay $0x2  }
0xa6: {  	v7 =	vld [tilespmem:s3+$0x0];
	_ =	sdelay $0x1  }
0xa7: {  	vm6 =	veq.s32 v9, v3;
	vm7 =	veq.s32 v9, v5  }
0xa8: {  	vm8 =	vgt.u32 v9, $0xFFFFFFFD;
	vm4 =	vmor vm4, vm6;
	vm7 =	vmor vm7, vm6;
	v8, _, _ =	vpop (xrf0)  }
0xa9: {  	vm5 =	vmand vm5, vm3;
	vm7 =	vmor vm7, vm8;
	v10 =	vxor.u32 $0x80000000, v8  }
.Ltmp5:
0xaa: {  	v8 =	vsel vm7, $0xFFFFFFFF, v9;
	vm7 =	vgt.s32 v10, v7;
	v9 =	vsel vm5, $0x80000000, v10;
	(pc) =	sbr.rel @p2 .LBB2_7-.Ltmp5, $4  }
0xab: {  	v6 =	vsel vm6, v10, v6;
	v11 =	vsel vm7, v10, v7;
	v7 =	vshift.insert v9, v0, s21  }
0xac: {  	v9 =	vsel vm6, v10, v11  }
0xad: {  	s0 =	sadd.s32 $0x10, s0;
	s2 =	sadd.s32 $0x10, s2;
	[tilespmem:s22+$0x0] =	vst v9  }
0xae: {  	s3 =	sadd.s32 $0x10, s3;
	s22 =	sadd.s32 $0x10, s22;
	(ifvalue) =	ssetifvalue $0xFFFFFFFF  }
0xaf: {  	_ =	sdelay $0x3  }
0xb0: {  	[hbm4b:s1+s16] =	stream.indirect_vreg.scatter [tilespmem:s30], [sflag:$0x2], $0x1, v8, vm0, $0x4038;
	[tilespmem:$0x11A60] =	vst v63  }
0xb1: {  	v3 =	vld [tilespmem:s29+$0xFAF0];
	_ =	sdelay $0x4  }
0xb2: {  	v3 =	vshift.insert v3, v1, s21  }
0xb3: {  	s0 =	simm.s32 $0x30  }
0xb4: {  	[tilespmem:s0+$0x0] =	vst.msk $0x1, v3  }
0xb5: {  	v3 =	vsel vm4, $0x1, v1;
	[tilespmem:$0x90] =	vst v6  }
0xb6: {  	s0 =	sadd.s32 @!p1 $0xFAFF, s29;
	[tilespmem:$0xA0] =	vst v3  }
0xb7: {  	[spmem:s14] =	stream.linear.scatter @!p1 [tilespmem:s0], [sflag:$0x1], $0x1, $0x38;
	[tilespmem:$0x11A60] =	vst v63  }
0xb8: {  	s0 =	simm.s32 @!p1 $0x1  }
0xb9: {  	v3 =	vmctz.xlane @!p1 vm4;
	_ =	swait.ge @!p1 [sflag:s0], $0x1  }
0xba: {  	(v2sf) =	vpush @!p1 v4, $0x0  }
0xbb: {  	(v2sf) =	vpush @!p1 v3, $0x0;
	_ =	sdelay $0xd  }
0xbc: {  	s2 =	spop @!p1 (v2sf)  }
0xbd: {  	s3 =	spop @!p1 (v2sf)  }
0xbe: {  	p2 =	sne.s32 @!p1 s28, s2;
	p3 =	slt.s32 @!p1 s3, $0xF  }
0xbf: {  	[sflag:s0] =	ssyncset.done @!p1 $0x0;
	p2 =	por p2, p1;
	p3 =	por !p3, p1  }
0xc0: {  	[sflag:s0] =	ssyncadd.s32 @!p1 $0xFFFFFFFF;
	v3 =	vimm.s32 @!p2 $0xFFFFFFFF;
	s3 =	simm.s32 @p3 $0xF  }
0xc1: {  	[tilespmem:$0x80] =	vst @!p2 v3;
	s2 =	sadd.s32 @!p1 $0x90, s3  }
0xc2: {  	[spmem:s10] =	stream.linear.scatter @!p1 [tilespmem:s2], [sflag:$0x1], $0x1, $0x38;
	[tilespmem:$0x11A60] =	vst v63  }
0xc3: {  	_ =	swait.ge @!p1 [sflag:s0], $0x1  }
0xc4: {  	[sflag:s0] =	ssyncset.done @!p1 $0x0  }
0xc5: {  	s2 =	simm.s32 @!p1 $0x80;
	[sflag:s0] =	ssyncadd.s32 @!p1 $0xFFFFFFFF  }
0xc6: {  	[spmem:s15] =	stream.linear.scatter @!p1 [tilespmem:s2], [sflag:$0x1], $0x1, $0x38;
	[tilespmem:$0x11A60] =	vst v63  }
0xc7: {  	_ =	swait.ge @!p1 [sflag:s0], $0x1  }
0xc8: {  	[sflag:s0] =	ssyncset.done @!p1 $0x0  }
0xc9: {  	[sflag:s0] =	ssyncadd.s32 @!p1 $0xFFFFFFFF;
	(ifvalue) =	ssetifvalue $0xFFFFFFFF;
	v3 =	vld [tilespmem:s25+$0x10];
	_ =	sdelay $0x3  }
.Ltmp6:
0xca: {  	_ = 	snop;
	(pc) =	sbr.rel .LBB2_9-.Ltmp6, $3  }
0xcb: {  	_ =	sdelay $0x1  }
0xcc: {  	(ifvalue) =	ssetifvalue $0xFFFFFFFF  }
0xcd: {  	[hbm4b:s1+s16] =	stream.indirect_vreg.scatter [tilespmem:s26], [sflag:$0x9], $0x1, v3, vm0, $0x4038;
	[tilespmem:$0x11A60] =	vst v63  }
.LBB2_10:
0xce: {  	_ =	sfence.sel $0x180000  }
0xcf: {  	s0 =	simm.s32 $0x7;
	[bflag:$0x0] =	sbarrier.arrive $0xFFFF  }
0xd0: {  	s26 =	simm.s32 $0x8;
	[sflag:s0] =	ssyncpa.u1 $0x1  }
0xd1: {  	s28 =	simm.s32 $0x9;
	[sflag:s26] =	ssyncpa.u1 $0x1  }
0xd2: {  	[sflag:s28] =	ssyncpa.u1 $0x1  }
0xd3: {  	_ =	sfence.stream.spmem  }
0xd4: {  	s29 =	simm.s32 $0x3;
	[bflag:$0x0] =	sbarrier.arrive $0xFFFF  }
0xd5: {  	s30 =	simm.s32 $0x4;
	[sflag:s29] =	ssyncpa.u1 $0x1  }
0xd6: {  	s31 =	simm.s32 $0x3C;
	s2 =	stileid.u32;
	[sflag:s30] =	ssyncpa.u1 $0x1  }
0xd7: {  	p0 =	sne.s32 s2, $0x0;
	[sflag:s31] =	ssyncpa.u1 $0x1  }
0xd8: {  	s0 =	simm.s32 @p0 $0x1;
	_ =	sfence @p0  }
0xd9: {  	[sflag:s0] =	ssyncpa.u1 @p0 $0x1;
	s0 =	simm.s32 @p0 $0x2  }
0xda: {  	[sflag:s0] =	ssyncpa.u1 @p0 $0x1  }
0xdb: {  	_ =	strace @p0 $0x9000004A  }
0xdc: {  	[bflag:$0x2] =	sbarrier.arrive @p0 $0xFFFF  }
0xdd: {  	_ =	shalt @p0  }
.LBB2_11:
0xde: {  	_ =	sfence.stream.spmem;
	s0 =	simm.s32 $0x5  }
0xdf: {  	s2 =	simm.s32 $0x80;
	s3 =	simm.s32 $0xC0;
	[sflag:s0] =	ssyncpa.u1 $0x0  }
0xe0: {  	[tilespmem:s3], [sflag:$0x5] =	stream.linear.gather [spmem:s2], $0x20, $0x38;
	[tilespmem:$0x11A60] =	vst v63  }
0xe1: {  	s30 =	simm.s32 $0xE0;
	s2 =	simm.s32 $0x0  }
0xe2: {  	[tilespmem:s30], [sflag:$0x5] =	stream.linear.gather [spmem:s2], $0x20, $0x38;
	[tilespmem:$0x11A60] =	vst v63  }
.Ltmp7:
0xe3: {  	_ = 	snop;
	(pc) =	sbr.rel .LBB2_12-.Ltmp7, $4  }
0xe4: {  	_ =	swait.ge [sflag:s0], $0x40  }
0xe5: {  	[sflag:s0] =	ssyncset.done $0x0  }
0xe6: {  	s31 =	simm.s32 $0x6;
	[sflag:s0] =	ssyncadd.s32 $0xFFFFFFC0  }
0xe7: {  	s3 =	simm.s32 $0x0;
	[sflag:s31] =	ssyncpa.u1 $0x0  }
.LBB2_17:
0xe8: {  	p0 =	sgt.u32 s4, $0x4F3FF  }
0xe9: {  	s0 =	sshrl.u32 @!p0 s4, $0x3  }
0xea: {  	s4 =	sand.u32 @!p0 $0x7, s4;
	s5 =	simm.s32 @!p0 $0xB0;
	s0 =	sadd.s32 @!p0 s1, s0  }
0xeb: {  	[tilespmem:s5], [sflag:$0x6] =	stream.linear.gather @!p0 [hbm4b:s0+s4], $0x1, $0x38;
	[tilespmem:$0x11A60] =	vst v63  }
0xec: {  	s0 =	simm.s32 @!p0 $0x6  }
0xed: {  	_ =	swait.ge @!p0 [sflag:s0], $0x1  }
0xee: {  	[sflag:s0] =	ssyncset.done @!p0 $0x0  }
0xef: {  	[sflag:s0] =	ssyncadd.s32 @!p0 $0xFFFFFFFF  }
0xf0: {  	v1 =	vld.msk @!p0 [tilespmem:$0xB0], $0x1  }
0xf1: {  	v2 =	vld.msk @!p0 [tilespmem:s3+$0xE0], $0x1;
	_ =	sdelay $0x4  }
0xf2: {  	vm0 =	vgt.s32 @!p0 v2, v1  }
0xf3: {  	v1 =	vsel @!p0 vm0, v2, v1  }
0xf4: {  	[tilespmem:s3+$0xE0] =	vst.msk @!p0 $0x1, v1  }
0xf5: {  	[tilespmem:s2+$0xC0] =	vst.msk $0x1, v0  }
0xf6: {  	v0 =	vld.msk [tilespmem:s3+$0xE0], $0x1;
	_ =	sdelay $0x4  }
0xf7: {  	[tilespmem:s2+$0xE0] =	vst.msk $0x1, v0;
	s2 =	sadd.s32 $0x1, s2  }
.LBB2_19:
0xf8: {  	s3 =	sadd.s32 $0x1, s3  }
0xf9: {  	p0 =	sne.s32 s3, $0x20  }
.Ltmp8:
0xfa: {  	_ = 	snop;
	(pc) =	sbr.rel @!p0 .LBB2_20-.Ltmp8, $1  }
0xfb: {  	_ =	sdelay $0x3  }
.LBB2_12:
0xfc: {  	v0 =	vld.msk [tilespmem:s3+$0xC0], $0x1;
	_ =	sdelay $0x4  }
0xfd: {  	(v2sf) =	vpush v0, $0x0;
	_ =	sdelay $0xe  }
0xfe: {  	s4 =	spop (v2sf)  }
0xff: {  	p0 =	seq.s32 s4, $0xFFFFFFFF  }
.Ltmp9:
0x100: {  	_ = 	snop;
	(pc) =	sbr.rel @p0 .LBB2_19-.Ltmp9, $1  }
0x101: {  	_ =	sdelay $0x3  }
0x102: {  	p0 =	slt.s32 s2, $0x1  }
.Ltmp10:
0x103: {  	_ = 	snop;
	(pc) =	sbr.rel @p0 .LBB2_17-.Ltmp10, $1  }
0x104: {  	_ =	sdelay $0x3  }
0x105: {  	s0 =	simm.s32 $0xC0;
	p0 =	por $0x0, $0x0  }
0x106: {  	v1 =	vld.msk @!p0 [tilespmem:s0+$0x0], $0x1;
	_ =	sdelay $0x4  }
0x107: {  	(v2sf) =	vpush @!p0 v1, $0x0;
	_ =	sdelay $0xd  }
0x108: {  	p2 =	sne.s32 s2, $0x1  }
.Ltmp11:
0x109: {  	s5 =	spop @!p0 (v2sf);
	(pc) =	sbr.rel @!p2 .LBB2_16-.Ltmp11, $4  }
0x10a: {  	p1 =	seq.s32 @!p0 s4, s5  }
0x10b: {  	s5 =	simm.s32 $0x0;
	p1 =	por !p1, p0  }
0x10c: {  	s7 =	simm.s32 $0xFFFFFFFF;
	s5 =	simm.s32 @p1 $0xFFFFFFFF  }
0x10d: {  	s6 =	simm.s32 $0x1;
	s5 =	smov.u32 @p0 s7  }
.LBB2_15:
0x10e: {  	s7 =	smov.u32 s5;
	p0 =	sne.s32 s5, $0xFFFFFFFF  }
0x10f: {  	s0 =	sadd.s32 $0x1, s0;
	s5 =	smov.u32 s6;
	s6 =	sadd.s32 $0x1, s6  }
0x110: {  	p1 =	sne.s32 s2, s6;
	v1 =	vld.msk @!p0 [tilespmem:s0+$0x0], $0x1;
	_ =	sdelay $0x4  }
0x111: {  	(v2sf) =	vpush @!p0 v1, $0x0;
	_ =	sdelay $0xe  }
.Ltmp12:
0x112: {  	s8 =	spop @!p0 (v2sf);
	(pc) =	sbr.rel @p1 .LBB2_15-.Ltmp12, $4  }
0x113: {  	p2 =	seq.s32 @!p0 s4, s8  }
0x114: {  	p2 =	por !p2, p0  }
0x115: {  	s5 =	simm.s32 @p2 $0xFFFFFFFF  }
0x116: {  	s5 =	smov.u32 @p0 s7  }
.LBB2_16:
0x117: {  	p0 =	sne.s32 s5, $0xFFFFFFFF  }
.Ltmp13:
0x118: {  	_ = 	snop;
	(pc) =	sbr.rel @!p0 .LBB2_17-.Ltmp13, $1  }
0x119: {  	_ =	sdelay $0x3  }
0x11a: {  	v0 =	vld.msk [tilespmem:s3+$0xE0], $0x1  }
0x11b: {  	v1 =	vld.msk [tilespmem:s5+$0xE0], $0x1;
	_ =	sdelay $0x2  }
.Ltmp14:
0x11c: {  	_ = 	snop;
	(pc) =	sbr.rel .LBB2_19-.Ltmp14, $4  }
0x11d: {  	_ = 	snop  }
0x11e: {  	vm0 =	vgt.s32 v1, v0  }
0x11f: {  	v0 =	vsel vm0, v1, v0  }
0x120: {  	[tilespmem:s5+$0xE0] =	vst.msk $0x1, v0  }
.LBB2_20:
0x121: {  	p0 =	slt.s32 s2, $0x1  }
.Ltmp15:
0x122: {  	_ = 	snop;
	(pc) =	sbr.rel @p0 .LBB2_24-.Ltmp15, $3  }
0x123: {  	_ =	sdelay $0x1  }
0x124: {  	s0 =	simm.s32 $0x6  }
0x125: {  	s3 =	simm.s32 $0x0;
	[sflag:s0] =	ssyncpa.u1 $0x1  }
0x126: {  	s0 =	simm.s32 $0xC0  }
0x127: {  	v0 =	vld.msk [tilespmem:s0+$0x0], $0x1;
	_ =	sdelay $0x4  }
0x128: {  	(v2sf) =	vpush v0, $0x0;
	_ =	sdelay $0xe  }
0x129: {  	s2 =	sadd.s32 $0xFFFFFFFF, s2;
	s4 =	spop (v2sf)  }
0x12a: {  	p1 =	sne.s32 s2, $0x0;
	p0 =	sgt.u32 s4, $0x4F3FF  }
.Ltmp16:
0x12b: {  	s5 =	sshrl.u32 @!p0 s4, $0x3;
	(pc) =	sbr.rel @!p1 .LBB2_23-.Ltmp16, $4  }
0x12c: {  	s0 =	simm.s32 $0xE0;
	s4 =	sand.u32 @!p0 $0x7, s4;
	s5 =	sadd.s32 @!p0 s1, s5  }
0x12d: {  	[hbm4b:s5+s4] =	stream.linear.scatter @!p0 [tilespmem:s0], [sflag:$0x5], $0x1, $0x38;
	[tilespmem:$0x11A60] =	vst v63  }
0x12e: {  	s5 =	simm.s32 $0x0  }
0x12f: {  	s4 =	simm.s32 $0xC1;
	s5 =	simm.s32 @!p0 $0x4  }
.LBB2_22:
0x130: {  	v0 =	vld.msk [tilespmem:s4+$0x0], $0x1;
	s2 =	sadd.s32 $0xFFFFFFFF, s2;
	s3 =	sadd.s32 s3, s5  }
0x131: {  	p0 =	sne.s32 s2, $0x0;
	_ =	sdelay $0x3  }
0x132: {  	(v2sf) =	vpush v0, $0x0;
	_ =	sdelay $0xe  }
.Ltmp17:
0x133: {  	s6 =	spop (v2sf);
	(pc) =	sbr.rel @p0 .LBB2_22-.Ltmp17, $4  }
0x134: {  	s5 =	simm.s32 $0x0;
	p1 =	sgt.u32 s6, $0x4F3FF  }
0x135: {  	s0 =	sadd.s32 $0x1, s0;
	s5 =	simm.s32 @!p1 $0x4;
	s7 =	sshrl.u32 @!p1 s6, $0x3  }
0x136: {  	s4 =	sadd.s32 $0x1, s4;
	s6 =	sand.u32 @!p1 $0x7, s6;
	s7 =	sadd.s32 @!p1 s1, s7  }
0x137: {  	[hbm4b:s7+s6] =	stream.linear.scatter @!p1 [tilespmem:s0], [sflag:$0x5], $0x1, $0x38;
	[tilespmem:$0x11A60] =	vst v63  }
.LBB2_23:
0x138: {  	s0 =	sadd.s32 s3, s5  }
0x139: {  	s3 =	sshrl.u32 s0, $0x2  }
.LBB2_24:
0x13a: {  	s0 =	simm.s32 $0x5  }
0x13b: {  	_ =	swait.ge [sflag:s0], s3  }
0x13c: {  	s1 =	ssub.s32 $0x0, s3;
	[sflag:s0] =	ssyncset.done $0x0  }
0x13d: {  	[sflag:s0] =	ssyncadd.s32 s1  }
0x13e: {  	[sflag:s0] =	ssyncpa.u1 $0x1  }
0x13f: {  	s29 =	simm.s32 $0x1;
	_ =	sfence  }
0x140: {  	s30 =	simm.s32 $0x2;
	[sflag:s29] =	ssyncpa.u1 $0x1  }
0x141: {  	[sflag:s30] =	ssyncpa.u1 $0x1  }
0x142: {  	_ =	strace $0x9000004A  }
0x143: {  	[bflag:$0x2] =	sbarrier.arrive $0xFFFF  }
0x144: {  	s31 =	rddreg [dreg:$0x1]  }
0x145: {  	s0 =	sadd.s32 $0x100000, s31  }
0x146: {  	[sflag:s0] =	ssyncadd.tile.s32 $0x1;
	_ =	shalt  }
.Lfunc_end2:
_tile_overlayer_lowered:
.L_overlay_start_2:
0x147: {  	(tag) =	ssettag $0x2  }
0x148: {  	s0 =	rddreg [dreg:$0x0];
	s2 =	stileid.u32  }
0x149: {  	s1 =	rddreg [dreg:$0x1];
	p0 =	sne.s32 s2, $0x0  }
0x14a: {  	s3 =	rddreg [dreg:$0x2];
	[bflag:$0x3] =	sbarrier.arrive $0xFFFF;
	s2 =	simm.s32 @!p0 $0x1C01  }
0x14b: {  	[timem:s3], [sflag:s2] =	dma.local @!p0 [hbm:s0], s1  }
0x14c: {  	s0 =	simm.s32 @!p0 $0x1  }
0x14d: {  	_ =	swait.ge @!p0 [sflag:s0], s1  }
0x14e: {  	s1 =	ssub.s32 @!p0 $0x0, s1;
	[sflag:s0] =	ssyncset.done @!p0 $0x0  }
0x14f: {  	[sflag:s0] =	ssyncadd.s32 @!p0 s1  }
0x150: {  	[bflag:$0x3] =	sbarrier.arrive $0xFFFF  }
0x151: {  	_ =	shalt  }

// kernel: scatter_offload_async_start
scs
__scs_entry_jumppad:
0x0: {  	(pc) =	sbr.rel $0x88, $3  }
0x1: {  	(tag) =	ssettag $0x0;
	lr =	simm.s32 $0x1  }
0x2: {  	[smem:$0x3F9E] =	sst lr;
	_ =	strace $0xD0000000  }
0x3: {  	_ = 	snop  }
0x4: {  	_ = 	snop  }
0x5: {  	_ = 	snop  }
0x6: {  	_ = 	snop  }
0x7: {  	_ = 	snop  }
__scs_overlays_trampoline_lowered:
0x8: {  	[smem:$0x3FAD] =	sst s0  }
0x9: {  	[smem:$0x3FAE] =	sst s1  }
0xa: {  	[smem:$0x3FAF] =	sst s2  }
0xb: {  	[smem:$0x3FB0] =	sst s3  }
0xc: {  	[smem:$0x3FB1] =	sst s4  }
0xd: {  	[smem:$0x3FB2] =	sst s5  }
0xe: {  	[smem:$0x3FB3] =	sst s6  }
0xf: {  	[smem:$0x3FB4] =	sst s7  }
0x10: {  	[smem:$0x3FB5] =	sst s8  }
0x11: {  	[smem:$0x3FB6] =	sst s9;
	s0 =	simm.s32 @!p0 $0x0  }
0x12: {  	s1 =	sld [smem:$0x3F9C];
	s0 =	simm.s32 @p0 $0x1  }
0x13: {  	[smem:$0x3FB7] =	sst s0;
	s0 =	simm.s32 @!p1 $0x0  }
0x14: {  	s2 =	sld [smem:$0x3F9B];
	s0 =	simm.s32 @p1 $0x1  }
0x15: {  	[smem:$0x3FB8] =	sst s0;
	s0 =	simm.s32 @!p2 $0x0  }
0x16: {  	s3 =	sld [smem:$0x3FDB];
	s0 =	simm.s32 @p2 $0x1  }
0x17: {  	s4 =	simm.s32 $0x1BF5;
	[smem:$0x3FBA] =	sst s0  }
0x18: {  	s0 =	sld [smem:$0x3F9D];
	_ =	swait.ge [sflag:s4], $0x0  }
0x19: {  	s7 =	sld [smem:$0x3F9E]  }
0x1a: {  	s8 =	sadd.s32 $0xFFFFE003, lr  }
0x1b: {  	s9 =	sadd.s32 $0xFFFFFEF7, lr;
	s5 =	simm.s32 $0xFFFFFFFF;
	p2 =	slt.u32 s8, $0xFFFFF086  }
0x1c: {  	p1 =	slt.u32 s9, $0xF7A;
	s5 =	simm.s32 @!p2 $0x0  }
0x1d: {  	s5 =	simm.s32 @p1 $0x1;
	p0 =	seq.s32 s7, s2  }
0x1e: {  	s7 =	smul.u32 @!p0 $0xF7A, s2;
	p2 =	seq.s32 @!p0 s5, $0x0  }
0x1f: {  	s9 =	smul.u32 $0xF7A, s1;
	s8 =	simm.s32 @!p0 $0x1BF5;
	p2 =	por !p2, p0  }
0x20: {  	[sflag:s8] =	ssyncset.s32 @!p0 $0xFFFFF086;
	s6 =	sadd.s32 @!p0 s3, s7;
	s7 =	simm.s32 @!p0 $0x108  }
0x21: {  	s3 =	sadd.s32 s3, s9;
	s6 =	sadd.s32 @!p0 $0x88, s6;
	s7 =	simm.s32 @p2 $0x1082  }
0x22: {  	[simem:s7], [sflag:s8] =	dma.local @!p0 [hbm:s6], $0xF7A  }
0x23: {  	s9 =	sor.u32 $0xD0000000, s2;
	s6 =	simm.s32 $0x108;
	_ =	swait.ge @!p0 [sflag:s8], $0x0  }
0x24: {  	s3 =	sadd.s32 $0x88, s3;
	s6 =	simm.s32 @!p1 $0x1082;
	[sflag:s4] =	ssyncset.s32 $0xFFFFF086  }
0x25: {  	[simem:s6], [sflag:s4] =	dma.local [hbm:s3], $0xF7A  }
0x26: {  	[smem:$0x3F9E] =	sst s1;
	(tag) =	ssettag s2;
	_ =	strace s9  }
0x27: {  	s1 =	sld [smem:$0x3FAE]  }
0x28: {  	s2 =	sld [smem:$0x3FAF]  }
0x29: {  	s4 =	sld [smem:$0x3FB1]  }
0x2a: {  	p0 =	seq.s32 s5, $0x0;
	s5 =	sld [smem:$0x3FB2]  }
0x2b: {  	s6 =	sld [smem:$0x3FB3]  }
0x2c: {  	s7 =	sld [smem:$0x3FB4]  }
0x2d: {  	s3 =	simm.s32 $0x108;
	s8 =	sld [smem:$0x3FB5]  }
0x2e: {  	s3 =	simm.s32 @!p0 $0x1082;
	s9 =	sld [smem:$0x3FB6]  }
0x2f: {  	lr =	sadd.s32 s0, s3;
	s0 =	sld [smem:$0x3FAD]  }
0x30: {  	s3 =	sld [smem:$0x3FB0]  }
0x31: {  	[smem:$0x3FB9] =	sst s10  }
0x32: {  	s10 =	sld [smem:$0x3FB7];
	_ =	sdelay $0x3  }
0x33: {  	p0 =	seq.s32 s10, $0x1;
	s10 =	sld [smem:$0x3FB9];
	_ =	sdelay $0x3  }
0x34: {  	[smem:$0x3FB9] =	sst s10  }
0x35: {  	s10 =	sld [smem:$0x3FB8];
	_ =	sdelay $0x3  }
0x36: {  	p1 =	seq.s32 s10, $0x1;
	s10 =	sld [smem:$0x3FB9];
	_ =	sdelay $0x3  }
0x37: {  	[smem:$0x3FB9] =	sst s10  }
0x38: {  	s10 =	sld [smem:$0x3FBA]  }
0x39: {  	_ = 	snop;
	(pc) =	sbr.ind lr, $3  }
0x3a: {  	_ = 	snop  }
0x3b: {  	_ = 	snop  }
0x3c: {  	p2 =	seq.s32 s10, $0x1;
	s10 =	sld [smem:$0x3FB9]  }
0x3d: {  	_ =	shalt  }
0x3e: {  	_ =	shalt  }
0x3f: {  	_ =	shalt  }
0x40: {  	_ =	shalt  }
0x41: {  	_ =	shalt  }
0x42: {  	_ =	shalt  }
0x43: {  	_ =	shalt  }
0x44: {  	_ =	shalt  }
0x45: {  	_ =	shalt  }
0x46: {  	_ =	shalt  }
0x47: {  	_ =	shalt  }
0x48: {  	_ =	shalt  }
0x49: {  	_ =	shalt  }
0x4a: {  	_ =	shalt  }
0x4b: {  	_ =	shalt  }
0x4c: {  	_ =	shalt  }
0x4d: {  	_ =	shalt  }
0x4e: {  	_ =	shalt  }
0x4f: {  	_ =	shalt  }
0x50: {  	_ =	shalt  }
0x51: {  	_ =	shalt  }
0x52: {  	_ =	shalt  }
0x53: {  	_ =	shalt  }
0x54: {  	_ =	shalt  }
0x55: {  	_ =	shalt  }
0x56: {  	_ =	shalt  }
0x57: {  	_ =	shalt  }
0x58: {  	_ =	shalt  }
0x59: {  	_ =	shalt  }
0x5a: {  	_ =	shalt  }
0x5b: {  	_ =	shalt  }
0x5c: {  	_ =	shalt  }
0x5d: {  	_ =	shalt  }
0x5e: {  	_ =	shalt  }
0x5f: {  	_ =	shalt  }
0x60: {  	_ =	shalt  }
0x61: {  	_ =	shalt  }
0x62: {  	_ =	shalt  }
0x63: {  	_ =	shalt  }
0x64: {  	_ =	shalt  }
0x65: {  	_ =	shalt  }
0x66: {  	_ =	shalt  }
0x67: {  	_ =	shalt  }
0x68: {  	_ =	shalt  }
0x69: {  	_ =	shalt  }
0x6a: {  	_ =	shalt  }
0x6b: {  	_ =	shalt  }
0x6c: {  	_ =	shalt  }
0x6d: {  	_ =	shalt  }
0x6e: {  	_ =	shalt  }
0x6f: {  	_ =	shalt  }
0x70: {  	_ =	shalt  }
0x71: {  	_ =	shalt  }
0x72: {  	_ =	shalt  }
0x73: {  	_ =	shalt  }
0x74: {  	_ =	shalt  }
0x75: {  	_ =	shalt  }
0x76: {  	_ =	shalt  }
0x77: {  	_ =	shalt  }
0x78: {  	_ =	shalt  }
0x79: {  	_ =	shalt  }
0x7a: {  	_ =	shalt  }
0x7b: {  	_ =	shalt  }
0x7c: {  	_ =	shalt  }
0x7d: {  	_ =	shalt  }
0x7e: {  	_ =	shalt  }
0x7f: {  	_ =	shalt  }
0x80: {  	_ =	shalt  }
0x81: {  	_ =	shalt  }
0x82: {  	_ =	shalt  }
0x83: {  	_ =	shalt  }
0x84: {  	_ =	shalt  }
0x85: {  	_ =	shalt  }
0x86: {  	_ =	shalt  }
0x87: {  	_ =	shalt  }
.Lfunc_end0:
.L_simem_size_0:
called_computation_lowered:
.L_overlay_start_0:
0x88: {  	s0 =	sld [smem:$0x3FD9]  }
0x89: {  	s1 =	sld [smem:$0x3FFE];
	_ =	sdelay $0x3  }
0x8a: {  	s0 =	sadd.s32 s1, s0  }
0x8b: {  	[smem:$0x3FC5] =	sst s0  }
0x8c: {  	_ = 	snop  }
0x8d: {  	s0 =	sld [smem:$0x3FD0];
	(tm) =	ssettm $0x1  }
0x8e: {  	s16 =	sld [smem:$0x3FFB];
	_ =	sdelay $0x3  }
0x8f: {  	_ =	strace s16  }
0x90: {  	s1 =	sld [smem:$0x3FFC];
	_ =	sdelay $0x3  }
0x91: {  	_ =	strace s1  }
0x92: {  	s1 =	sld [smem:$0x3FFD];
	_ =	sdelay $0x3  }
0x93: {  	_ =	strace s1  }
0x94: {  	_ =	strace $0x8FFFFFFF  }
0x95: {  	s17 =	sld [smem:$0x3FDB];
	_ =	sdelay $0x1  }
0x96: {  	s2 =	simm.s32 $_scs_section_size  }
0x97: {  	s3 =	simm.s32 $_size__tile_overlayer_lowered;
	s4 =	simm.s32 $_tile_overlayer_lowered  }
0x98: {  	s20 =	simm.s32 $0x1BFF;
	s19 =	sshll.u32 s4, $0x1;
	s1 =	sadd.s32 s2, s17  }
0x99: {  	s5 =	simm.s32 $0x0;
	s18 =	sshll.u32 s3, $0x1;
	s3 =	sadd.s32 s19, s1  }
0x9a: {  	[timem:s5], [sflag:s20] =	dma.local [hbm:s3], s18  }
0x9b: {  	_ =	swait.ge [sflag:s20], s18  }
0x9c: {  	s2 =	ssub.s32 $0x0, s18;
	[sflag:s20] =	ssyncset.done $0x0  }
0x9d: {  	[sflag:s20] =	ssyncadd.s32 s2;
	_ =	sdelay $0x1  }
0x9e: {  	s21 =	simm.s32 $0x1B8B  }
0x9f: {  	_ =	swait.ge [sflag:s21], $0x1  }
0xa0: {  	[sflag:s21] =	ssyncset.done $0x0  }
0xa1: {  	s23 =	simm.s32 $0x1B8E;
	s22 =	sld [smem:$0x3FFE];
	[sflag:s21] =	ssyncadd.s32 $0xFFFFFFFF  }
0xa2: {  	s24 =	simm.s32 $execute0_lowered;
	[smem:$0x3FD2] =	sst s23  }
0xa3: {  	s3 =	sshll.u32 s24, $0x1;
	_ =	strace $0x80000046;
	[dreg:$0x1] =	wrdreg $0xFFFFFFFF  }
0xa4: {  	s25 =	simm.s32 $_size_execute0_lowered;
	s1 =	sadd.s32 s1, s3;
	[dreg:$0x0] =	wrdreg $0x0  }
0xa5: {  	s3 =	sshll.u32 s25, $0x1;
	[dreg:$0x2] =	wrdreg s1  }
0xa6: {  	[dreg:$0x3] =	wrdreg s3  }
0xa7: {  	[dreg:$0x4] =	wrdreg $0xC0  }
0xa8: {  	_ =	task [dreg:s5], $0x5FFFF  }
0xa9: {  	[dreg:$0x1] =	wrdreg $0xFFFFFFFF  }
0xaa: {  	[dreg:$0x0] =	wrdreg $0x60  }
0xab: {  	[dreg:$0x2] =	wrdreg s0  }
0xac: {  	[dreg:$0x3] =	wrdreg s22  }
0xad: {  	[dreg:$0x4] =	wrdreg $0x9  }
0xae: {  	_ =	task.clear_ibuf [dreg:s5], $0x5FFFF;
	_ =	strace $0x90000046  }
0xaf: {  	s26 =	simm.s32 $0x9;
	_ =	strace $0x80000048  }
0xb0: {  	_ =	swait.ge [sflag:s26], $0x1  }
0xb1: {  	[sflag:s26] =	ssyncadd.s32 $0xFFFFFFFF  }
0xb2: {  	_ =	strace $0x90000048  }
0xb3: {  	_ =	sfence  }
0xb4: {  	s28 =	sld [smem:$0x0];
	_ =	sdelay $0x1  }
0xb5: {  	s29 =	srdreg.scid  }
0xb6: {  	s30 =	sshll.u32 s29, $0xD;
	s31 =	sshrl.u32 s29, $0x2  }
0xb7: {  	s2 =	sand.u32 $0x4000, s30;
	s1 =	sand.u32 $0x1, s29;
	s0 =	sadd.s32 s31, s28  }
0xb8: {  	s1 =	sor.u32 s2, s1;
	s0 =	sshll.u32 s0, $0x11  }
0xb9: {  	s0 =	sor.u32 s0, s1  }
0xba: {  	s0 =	sadd.s32 $0x8F2B, s0  }
0xbb: {  	[sflag:s0] =	ssyncadd.remote.s32 $0x1  }
0xbc: {  	_ =	sfence.sel $0xFFFF  }
0xbd: {  	[dreg:$0x0] =	wrdreg $0xFFFFFFFF;
	(pc) =	sbr.abs _section_cstart, $3  }
0xbe: {  	[dreg:$0x1] =	wrdreg $0xFFFFFFFF  }
0xbf: {  	_ =	task.clear_ibuf [dreg:s5], $0x2FFFF;
	_ =	strace $0x9FFFFFFF  }
0xc0: {  	(tm) =	ssettm $0x7FFFFFFF  }
0xc1: {  	_ =	shalt  }
tec
execute0_lowered:
.L_overlay_start_1:
0x0: {  	(tag) =	ssettag $0x1  }
0x1: {  	s1 =	rddreg [dreg:$0x0]  }
0x2: {  	s0 =	rddreg [dreg:$0x1];
	_ =	strace $0x80000047;
	s2 =	simm.s32 $0x1  }
0x3: {  	s14 =	stileid.u32;
	v1 =	vimm.s32 $0xFFFFFFFF;
	[sflag:s2] =	ssyncpa.u1 $0x0  }
0x4: {  	s3 =	smin.u32 s14, $0x4;
	[tilespmem:$0x10] =	vst v1  }
0x5: {  	v0 =	vimm.s32 $0x7FFFFFFF;
	s3 =	sadd.s32 s14, s3;
	[tilespmem:$0x20] =	vst v1  }
0x6: {  	s4 =	simm.s32 $0x3E80;
	p0 =	slt.u32 s14, $0x4;
	[tilespmem:$0x30] =	vst v0;
	s3 =	smul.u32 $0x1F40, s3  }
0x7: {  	s4 =	simm.s32 @!p0 $0x1F40;
	[tilespmem:$0x40] =	vst v0  }
0x8: {  	[tilespmem:$0x50] =	vst v0;
	s4 =	sadd.s32 s4, s3  }
0x9: {  	s7 =	simm.s32 $0x2;
	[tilespmem:$0x60] =	vst v1;
	s4 =	smin.u32 s4, $0x27100  }
0xa: {  	s8 =	simm.s32 $0x8;
	s31 =	simm.s32 $0x9;
	[tilespmem:$0x70] =	vst v1;
	s6 =	ssub.s32 s4, s3  }
0xb: {  	s16 =	simm.s32 $0x0;
	s17 =	simm.s32 $0xF0;
	[tilespmem:$0x80] =	vst v1;
	p0 =	sgt.s32 s6, $0x0  }
0xc: {  	s18 =	simm.s32 $0xFFFFFFFF;
	s19 =	simm.s32 $0xFFFFC280;
	v1 =	vimm.s32 $0x0;
	[tilespmem:$0xB0] =	vst v0;
	s6 =	simm.s32 @!p0 $0x0  }
0xd: {  	s20 =	simm.s32 $0xFFFFFFFE;
	s21 =	simm.s32 $0xF;
	[tilespmem:$0x90] =	vst v1;
	s5 =	smulhi.u32 $0x10624DD3, s6  }
0xe: {  	s25 =	simm.s32 $0x0;
	[tilespmem:$0xA0] =	vst v1;
	[sflag:s7] =	ssyncpa.u1 $0x0;
	s7 =	simm.s32 $0x7  }
0xf: {  	s24 =	simm.s32 $0x0;
	[sflag:s7] =	ssyncpa.u1 $0x0;
	s9 =	sshrl.u32 s5, $0x9  }
0x10: {  	[sflag:s8] =	ssyncpa.u1 $0x0;
	s23 =	smov.u32 s3;
	s10 =	smul.u32 $0x1F40, s9  }
.Ltmp0:
0x11: {  	s5 =	sadd.s32 $0xA000, s0;
	s0 =	sadd.s32 $0xF000, s0;
	(pc) =	sbr.rel .LBB2_1-.Ltmp0, $4  }
0x12: {  	[sflag:s31] =	ssyncpa.u1 $0x0;
	[dreg:$0x3] =	wrdreg s0;
	p0 =	sne.s32 s6, s10  }
0x13: {  	s10 =	sshll.u32 s14, $0x1;
	s14 =	sshllo.u32 s14, $0x1;
	s2 =	simm.s32 @!p0 $0x0  }
0x14: {  	vm0 =	vmmov $0xffff;
	v2 =	vlaneseq.u32;
	s13 =	sor.u32 $0x81, s10;
	s15 =	sor.u32 $0x80, s10;
	s9 =	sadd.s32 s2, s9  }
0x15: {  	vm1 =	vmxor vm1, vm1;
	vm2 =	vmmov $0x1;
	vm3 =	vcmask $0x3F3C;
	p0 =	por $0x0, $0x0;
	s11 =	sadd.s32 $0x1, s9;
	s12 =	sadd.s32 $0x2, s9  }
.LBB2_9:
0x16: {  	p1 =	slt.u32 s24, $0x3  }
0x17: {  	s0 =	simm.s32 @!p1 $0x2  }
0x18: {  	_ =	swait.ge @!p1 [sflag:s0], $0x1F40  }
0x19: {  	[sflag:s0] =	ssyncset.done @!p1 $0x0  }
0x1a: {  	[sflag:s0] =	ssyncadd.s32 @!p1 $0xFFFFE0C0;
	s0 =	simm.s32 @!p1 $0x9  }
0x1b: {  	_ =	swait.ge @!p1 [sflag:s0], $0x10  }
0x1c: {  	[sflag:s0] =	ssyncset.done @!p1 $0x0  }
0x1d: {  	[sflag:s0] =	ssyncadd.s32 @!p1 $0xFFFFFFF0;
	p1 =	sne.s32 s24, s12  }
.Ltmp1:
0x1e: {  	s2 =	sadd.s32 $0x1F40, s23;
	(pc) =	sbr.rel @!p1 .LBB2_10-.Ltmp1, $4  }
0x1f: {  	s6 =	smov.u32 s3;
	s31 =	sadd.s32 $0x1, s24;
	s17 =	sadd.s32 $0x1F40, s17  }
0x20: {  	s18 =	sadd.s32 $0x1, s18;
	s25 =	smov.u32 s23;
	p2 =	slt.s32 s2, s4  }
0x21: {  	p0 =	por !p0, !p0;
	s19 =	sadd.s32 $0x1F40, s19;
	s6 =	smov.u32 @p2 s2  }
0x22: {  	s20 =	sadd.s32 $0x1, s20;
	s23 =	smov.u32 s6;
	s24 =	smov.u32 s31  }
.LBB2_1:
0x23: {  	p1 =	sge.u32 s24, s9  }
0x24: {  	s0 =	smulhi.u32 @!p1 $0xAAAAAAAB, s24;
	_ =	sdelay $0x1  }
0x25: {  	s0 =	sshrl.u32 @!p1 s0, $0x1  }
0x26: {  	s0 =	smul.u32 @!p1 $0x3, s0;
	_ =	sdelay $0x1  }
0x27: {  	s0 =	ssub.s32 @!p1 s24, s0  }
0x28: {  	s0 =	smul.u32 @!p1 $0x7D00, s0;
	_ =	sdelay $0x1  }
0x29: {  	s2 =	sshrl.u32 @!p1 s23, $0x3;
	s0 =	sshrl.u32 @!p1 s0, $0x2  }
0x2a: {  	s6 =	sand.u32 @!p1 $0x7, s23;
	s2 =	sadd.s32 @!p1 s5, s2;
	s0 =	sadd.s32 @!p1 $0x100, s0  }
0x2b: {  	[tilespmem:s0], [sflag:$0x7] =	stream.linear.gather @!p1 [hbm4b:s2+s6], $0x1F40, $0x38;
	[tilespmem:$0x11A60] =	vst v63  }
0x2c: {  	s0 =	sadd.s32 $0xFFFFFFFF, s24  }
0x2d: {  	p1 =	sge.u32 s0, s9  }
.Ltmp2:
0x2e: {  	_ = 	snop;
	(pc) =	sbr.rel @p1 .LBB2_5-.Ltmp2, $1  }
0x2f: {  	_ =	sdelay $0x3  }
0x30: {  	s2 =	smulhi.u32 $0xAAAAAAAB, s0;
	_ =	sdelay $0x1  }
0x31: {  	s2 =	sshrl.u32 s2, $0x1  }
0x32: {  	s2 =	smul.u32 $0x3, s2;
	_ =	sdelay $0x1  }
0x33: {  	s2 =	ssub.s32 s0, s2  }
0x34: {  	s2 =	smul.u32 $0x7D00, s2  }
0x35: {  	_ =	swait.ge [sflag:s7], $0x1F40  }
0x36: {  	[sflag:s7] =	ssyncset.done $0x0;
	s2 =	sshrl.u32 s2, $0x2  }
0x37: {  	[sflag:s7] =	ssyncadd.s32 $0xFFFFE0C0;
	(ifvalue) =	ssetifvalue $0xFFFFFFFF;
	v3 =	vld.msk [tilespmem:s2+$0x100 ss:$0x1], $0xffff;
	_ =	sdelay $0x2  }
0x38: {  	s30 =	smulhi.u32 $0xAAAAAAAB, s18;
	p1 =	sne.s32 s24, $0x1  }
0x39: {  	v4 =	vimm.s32 @!p1 $0x0  }
0x3a: {  	s2 =	sshrl.u32 s30, $0x1;
	v4 =	vperm.xlane @!p1 v3, v4  }
0x3b: {  	s6 =	sshll.u32 s24, $0x4;
	s2 =	smul.u32 $0xFFFE8900, s2;
	vm4 =	vlt.u32 v3, $0x4F400  }
0x3c: {  	s6 =	sand.u32 $0x10, s6;
	v3 =	vnsel vm4, $0xFFFFFFFE, v3;
	vm4 =	vlt.u32 @!p1 v4, $0x4F400  }
0x3d: {  	s2 =	sshra.s32 s2, $0x2;
	[tilespmem:s6+$0x60] =	vst v3;
	v3 =	vnsel @!p1 vm4, $0xFFFFFFFE, v4  }
0x3e: {  	s26 =	sadd.s32 s2, s17;
	[tilespmem:$0x80] =	vst @!p1 v3  }
0x3f: {  	v3 =	vld.msk [tilespmem:s26+$0x0 ss:$0x1], $0xffff;
	_ =	sdelay $0x4  }
0x40: {  	(xrf1) =	vunique.msk.u32 $0xffff, v3;
	_ =	sdelay $0xd  }
0x41: {  	v4 =	vimm.s32 $0xFFFFFFFF;
	v5, _, _ =	vpop (xrf1)  }
0x42: {  	vm5 =	vne.s32 v3, v4;
	vm4 =	veq.s32 v5, v2  }
0x43: {  	vm6 =	vlt.u32 v3, $0x4F400;
	vm4 =	vmand vm5, vm4  }
0x44: {  	vm4 =	vmand vm6, vm4  }
0x45: {  	v4 =	vnsel vm4, $0xFFFFFFFF, v3  }
0x46: {  	s31 =	sand.u32 $0x1, s0  }
0x47: {  	s0 =	simm.s32 $0x1F40;
	p1 =	seq.s32 s31, $0x1  }
0x48: {  	s0 =	simm.s32 @!p1 $0x0  }
0x49: {  	s2 =	sadd.s32 $0x7DF0, s0;
	(ifvalue) =	ssetifvalue $0xFFFFFFFF  }
0x4a: {  	v3 =	vperm.xlane v3, v1;
	[tilespmem:s2], [sflag:$0x8] =	stream.indirect_vreg.gather [hbm4b:s1+s16], $0x1, v4, vm0, $0x4038;
	v4 =	vnsel vm6, $0xFFFFFFFE, v4;
	[tilespmem:$0x11A60] =	vst v63  }
0x4b: {  	s22 =	sadd.s32 $0xFFFFFFF0, s26;
	s6 =	simm.s32 $0x0;
	[tilespmem:s26+$0x0] =	vst v4  }
.LBB2_3:
0x4c: {  	v4 =	vld.msk [tilespmem:s22+$0x0 ss:$0x1], $0xffff;
	s6 =	sadd.s32 $0x10, s6;
	v5 =	vmov v3;
	s26 =	smov.u32 s22  }
0x4d: {  	p1 =	slt.u32 s6, $0x1F30;
	_ =	sdelay $0x4  }
0x4e: {  	v3 =	vperm.xlane v4, v1;
	(xrf1) =	vunique.msk.u32 $0xffff, v4;
	_ =	sdelay $0xd  }
0x4f: {  	v6, _, _ =	vpop (xrf1)  }
0x50: {  	vm5 =	vne.s32 v4, v5;
	vm4 =	veq.s32 v6, v2  }
0x51: {  	vm6 =	vlt.u32 v4, $0x4F400;
	vm4 =	vmand vm5, vm4  }
0x52: {  	vm4 =	vmand vm6, vm4  }
0x53: {  	v4 =	vnsel vm4, $0xFFFFFFFF, v4  }
.Ltmp3:
0x54: {  	v5 =	vnsel vm6, $0xFFFFFFFE, v4;
	(pc) =	sbr.rel @p1 .LBB2_3-.Ltmp3, $3  }
0x55: {  	_ =	sdelay $0x1  }
0x56: {  	s22 =	sadd.s32 $0xFFFFFFF0, s22;
	s2 =	sadd.s32 $0xFFFFFFF0, s2;
	(ifvalue) =	ssetifvalue $0xFFFFFFFF  }
0x57: {  	[tilespmem:s2], [sflag:$0x8] =	stream.indirect_vreg.gather [hbm4b:s1+s16], $0x1, v4, vm0, $0x4038;
	[tilespmem:s26+$0x0] =	vst v5  }
0x58: {  	s2 =	sshrl.u32 s25, $0x3;
	s6 =	rddreg [dreg:$0x3]  }
0x59: {  	s0 =	sadd.s32 $0x9D40, s0;
	s2 =	sadd.s32 s6, s2  }
0x5a: {  	[tilespmem:s0], [sflag:$0x8] =	stream.linear.gather [hbm:s2], $0x1F40, $0x38;
	[tilespmem:$0x11A60] =	vst v63  }
.LBB2_5:
0x5b: {  	p1 =	slt.u32 s24, $0x2  }
0x5c: {  	p2 =	sge.u32 @!p1 s24, s12  }
0x5d: {  	p1 =	por p1, p2  }
.Ltmp4:
0x5e: {  	_ = 	snop;
	(pc) =	sbr.rel @p1 .LBB2_9-.Ltmp4, $1  }
0x5f: {  	_ =	sdelay $0x3  }
0x60: {  	s0 =	sadd.s32 $0xFFFFFFFE, s24  }
0x61: {  	s2 =	smulhi.u32 $0xAAAAAAAB, s0;
	_ =	sdelay $0x1  }
0x62: {  	s2 =	sshrl.u32 s2, $0x1  }
0x63: {  	s2 =	smul.u32 $0x3, s2;
	_ =	sdelay $0x1  }
0x64: {  	s0 =	ssub.s32 s0, s2  }
0x65: {  	_ =	swait.ge [sflag:s8], $0x3E80;
	s0 =	smul.u32 $0x1F40, s0  }
0x66: {  	p1 =	sne.s32 s24, s11;
	[sflag:s8] =	ssyncset.done $0x0  }
0x67: {  	[sflag:s8] =	ssyncadd.s32 $0xFFFFC180;
	s2 =	sadd.s32 @!p1 $0x203F, s0  }
0x68: {  	[spmem:s13] =	stream.linear.scatter @!p1 [tilespmem:s2], [sflag:$0x1], $0x1, $0x38;
	[tilespmem:$0x11A60] =	vst v63  }
0x69: {  	s2 =	simm.s32 @!p1 $0x1  }
0x6a: {  	_ =	swait.ge @!p1 [sflag:s2], $0x1  }
0x6b: {  	s6 =	sshll.u32 s24, $0x4;
	[sflag:s2] =	ssyncset.done @!p1 $0x0  }
0x6c: {  	s25 =	sand.u32 $0x10, s6;
	[sflag:s2] =	ssyncadd.s32 @!p1 $0xFFFFFFFF  }
0x6d: {  	s2 =	sxor.u32 $0x10, s25;
	v4 =	vld [tilespmem:s25+$0x10]  }
0x6e: {  	v5 =	vld [tilespmem:s2+$0x60]  }
0x6f: {  	v3 =	vld [tilespmem:$0x80];
	_ =	sdelay $0x2  }
0x70: {  	(v2sf) =	vpush v4, $0x0  }
0x71: {  	(v2sf) =	vpush v5, $0x0  }
0x72: {  	(v2sf) =	vpush v3, $0x0;
	_ =	sdelay $0xc  }
0x73: {  	s26 =	spop (v2sf)  }
0x74: {  	s22 =	spop (v2sf)  }
0x75: {  	s28 =	spop (v2sf)  }
0x76: {  	p3 =	seq.s32 s26, s22;
	p2 =	seq.s32 s28, s26  }
0x77: {  	p2 =	por p3, p2  }
0x78: {  	s26 =	sand.u32 $0x1, s24;
	v4 =	vpsel p2, $0xFFFFFFFF, v4  }
0x79: {  	s29 =	smul.u32 $0x1F40, s26;
	[tilespmem:s25+$0x10] =	vst.msk $0x1, v4  }
0x7a: {  	v4 =	vld [tilespmem:$0x30]  }
0x7b: {  	v5 =	vld [tilespmem:s29+$0x9D40]  }
0x7c: {  	v6 =	vld [tilespmem:s25+$0x40];
	_ =	sdelay $0x3  }
0x7d: {  	vm4 =	vmmov vm1;
	vm6 =	vmmov vm2;
	vm5 =	vlt.s32 v4, v5  }
0x7e: {  	vm4 =	vmmov @p3 vm2;
	s6 =	sshll.u32 s26, $0x4;
	v5 =	vsel vm5, v4, v5;
	vm5 =	vlt.s32 v4, v6  }
0x7f: {  	vm6 =	vmmov @p2 vm1;
	s26 =	sor.u32 $0x11A40, s6;
	v4 =	vsel vm5, v4, v6;
	[tilespmem:s29+$0x9D40] =	vst.msk vm4, v5  }
0x80: {  	[tilespmem:s26+$0x0] =	vst.msk vm6, v4  }
0x81: {  	v4 =	vld [tilespmem:s29+$0x7DF0];
	_ =	sdelay $0x4  }
0x82: {  	v4 =	vshift.insert v4, v1, s21  }
0x83: {  	s22 =	sor.u32 $0x40, s2  }
0x84: {  	v5 =	vimm.s32 $0x7FFFFFFF;
	[tilespmem:s22+$0x0] =	vst.msk $0x1, v4  }
0x85: {  	[tilespmem:s29+$0x7DFF] =	vst.msk $0x1, v5  }
0x86: {  	v4 =	vld [tilespmem:s0+$0x2030];
	_ =	sdelay $0x1  }
0x87: {  	s0 =	simm.s32 $0x1  }
0x88: {  	s22 =	smulhi.u32 $0xAAAAAAAB, s20;
	s0 =	simm.s32 @!p0 $0x0  }
0x89: {  	s0 =	smul.u32 $0x7D00, s0  }
0x8a: {  	s6 =	sshrl.u32 s22, $0x1;
	v4 =	vshift.insert v4, v1, s21  }
0x8b: {  	s6 =	smul.u32 $0xFFFE8900, s6;
	s0 =	sshrl.u32 s0, $0x2  }
0x8c: {  	s22 =	sadd.s32 $0x9D40, s0;
	[tilespmem:s2+$0x10] =	vst.msk $0x1, v4  }
0x8d: {  	s6 =	sshra.s32 s6, $0x2;
	v6 =	vld [tilespmem:s22+$0x0]  }
0x8e: {  	s2 =	sadd.s32 s6, s19  }
0x8f: {  	v7 =	vld [tilespmem:s2+$0x0];
	_ =	sdelay $0x2  }
0x90: {  	vm4 =	vlt.s32 v6, v5  }
0x91: {  	v5 =	vsel vm4, v6, v5  }
0x92: {  	vm4 =	vne.s32 v7, $0xFFFFFFFF;
	v5 =	vxor.u32 $0x80000000, v5  }
0x93: {  	(xrf0) =	vmin.seg.scan.u32 vm4, v5  }
0x94: {  	s6 =	sadd.s32 $0x5EC0, s0  }
0x95: {  	v8 =	vld [tilespmem:s6+$0x0]  }
0x96: {  	v6 =	vld [tilespmem:$0xA0];
	_ =	sdelay $0x2  }
0x97: {  	v5 =	vperm.xlane v4, v1;
	v9, _, _ =	vpop (xrf0)  }
0x98: {  	vm6 =	veq.s32 v7, v3;
	v9 =	vxor.u32 $0x80000000, v9  }
0x99: {  	vm8 =	veq.s32 v7, v5;
	vm5 =	veq.s32 v6, $0x1;
	vm7 =	vlt.s32 v9, v8  }
0x9a: {  	vm8 =	vmor vm8, vm6;
	v6 =	vsel vm7, v9, v8;
	vm7 =	vgt.u32 v7, $0xFFFFFFFD  }
0x9b: {  	v10 =	vld [tilespmem:$0x90];
	vm9 =	vmand vm4, vm3;
	vm4 =	vmor vm5, vm6;
	vm5 =	vmor vm8, vm7  }
0x9c: {  	v8 =	vsel vm5, $0xFFFFFFFF, v7;
	_ =	sdelay $0x1  }
0x9d: {  	s31 =	simm.s32 $0x0  }
0x9e: {  	s30 =	sadd.s32 $0xDBC0, s0;
	s0 =	sadd.s32 $0x10, s22;
	s2 =	sadd.s32 $0x10, s2;
	v11 =	vsel vm9, $0x7FFFFFFF, v9;
	v6 =	vsel vm6, v9, v6  }
0x9f: {  	s22 =	sadd.s32 $0x10, s30;
	s6 =	sadd.s32 $0x10, s6;
	[tilespmem:s30+$0x0] =	vst v6;
	v6 =	vsel vm6, v9, v10;
	v7 =	vshift.insert v11, v0, s21;
	(ifvalue) =	ssetifvalue $0xFFFFFFFF  }
.LBB2_7:
0xa0: {  	[hbm4b:s1+s16] =	stream.indirect_vreg.scatter [tilespmem:s30], [sflag:$0x2], $0x1, v8, vm0, $0x4038;
	[tilespmem:$0x11A60] =	vst v63  }
0xa1: {  	s31 =	sadd.s32 $0x10, s31;
	s30 =	smov.u32 s22;
	v8 =	vld [tilespmem:s0+$0x0]  }
0xa2: {  	p2 =	slt.u32 s31, $0x1F30  }
0xa3: {  	v9 =	vld [tilespmem:s2+$0x0];
	_ =	sdelay $0x2  }
0xa4: {  	vm5 =	vlt.s32 v8, v7  }
0xa5: {  	v7 =	vsel vm5, v8, v7  }
0xa6: {  	vm5 =	vne.s32 v9, $0xFFFFFFFF;
	v7 =	vxor.u32 $0x80000000, v7  }
0xa7: {  	(xrf0) =	vmin.seg.scan.u32 vm5, v7;
	_ =	sdelay $0x2  }
0xa8: {  	v7 =	vld [tilespmem:s6+$0x0];
	_ =	sdelay $0x1  }
0xa9: {  	vm6 =	veq.s32 v9, v3;
	vm7 =	veq.s32 v9, v5  }
0xaa: {  	vm8 =	vgt.u32 v9, $0xFFFFFFFD;
	vm4 =	vmor vm4, vm6;
	vm7 =	vmor vm7, vm6;
	v8, _, _ =	vpop (xrf0)  }
0xab: {  	vm5 =	vmand vm5, vm3;
	vm7 =	vmor vm7, vm8;
	v10 =	vxor.u32 $0x80000000, v8  }
.Ltmp5:
0xac: {  	v8 =	vsel vm7, $0xFFFFFFFF, v9;
	vm7 =	vlt.s32 v10, v7;
	v9 =	vsel vm5, $0x7FFFFFFF, v10;
	(pc) =	sbr.rel @p2 .LBB2_7-.Ltmp5, $4  }
0xad: {  	v6 =	vsel vm6, v10, v6;
	v11 =	vsel vm7, v10, v7;
	v7 =	vshift.insert v9, v0, s21  }
0xae: {  	v9 =	vsel vm6, v10, v11  }
0xaf: {  	s0 =	sadd.s32 $0x10, s0;
	s2 =	sadd.s32 $0x10, s2;
	[tilespmem:s22+$0x0] =	vst v9  }
0xb0: {  	s6 =	sadd.s32 $0x10, s6;
	s22 =	sadd.s32 $0x10, s22;
	(ifvalue) =	ssetifvalue $0xFFFFFFFF  }
0xb1: {  	_ =	sdelay $0x3  }
0xb2: {  	[hbm4b:s1+s16] =	stream.indirect_vreg.scatter [tilespmem:s30], [sflag:$0x2], $0x1, v8, vm0, $0x4038;
	[tilespmem:$0x11A60] =	vst v63  }
0xb3: {  	v3 =	vld [tilespmem:s29+$0xFAF0];
	_ =	sdelay $0x4  }
0xb4: {  	v3 =	vshift.insert v3, v1, s21  }
0xb5: {  	s0 =	simm.s32 $0x30  }
0xb6: {  	[tilespmem:s0+$0x0] =	vst.msk $0x1, v3  }
0xb7: {  	v3 =	vsel vm4, $0x1, v1;
	[tilespmem:$0x90] =	vst v6  }
0xb8: {  	s0 =	sadd.s32 @!p1 $0xFAFF, s29;
	[tilespmem:$0xA0] =	vst v3  }
0xb9: {  	[spmem:s14] =	stream.linear.scatter @!p1 [tilespmem:s0], [sflag:$0x1], $0x1, $0x38;
	[tilespmem:$0x11A60] =	vst v63  }
0xba: {  	s0 =	simm.s32 @!p1 $0x1  }
0xbb: {  	v3 =	vmctz.xlane @!p1 vm4;
	_ =	swait.ge @!p1 [sflag:s0], $0x1  }
0xbc: {  	(v2sf) =	vpush @!p1 v4, $0x0  }
0xbd: {  	(v2sf) =	vpush @!p1 v3, $0x0;
	_ =	sdelay $0xd  }
0xbe: {  	s2 =	spop @!p1 (v2sf)  }
0xbf: {  	s6 =	spop @!p1 (v2sf)  }
0xc0: {  	p2 =	sne.s32 @!p1 s28, s2;
	p3 =	slt.s32 @!p1 s6, $0xF  }
0xc1: {  	[sflag:s0] =	ssyncset.done @!p1 $0x0;
	p2 =	por p2, p1;
	p3 =	por !p3, p1  }
0xc2: {  	[sflag:s0] =	ssyncadd.s32 @!p1 $0xFFFFFFFF;
	v3 =	vimm.s32 @!p2 $0xFFFFFFFF;
	s6 =	simm.s32 @p3 $0xF  }
0xc3: {  	[tilespmem:$0x80] =	vst @!p2 v3;
	s2 =	sadd.s32 @!p1 $0x90, s6  }
0xc4: {  	[spmem:s10] =	stream.linear.scatter @!p1 [tilespmem:s2], [sflag:$0x1], $0x1, $0x38;
	[tilespmem:$0x11A60] =	vst v63  }
0xc5: {  	_ =	swait.ge @!p1 [sflag:s0], $0x1  }
0xc6: {  	[sflag:s0] =	ssyncset.done @!p1 $0x0  }
0xc7: {  	s2 =	simm.s32 @!p1 $0x80;
	[sflag:s0] =	ssyncadd.s32 @!p1 $0xFFFFFFFF  }
0xc8: {  	[spmem:s15] =	stream.linear.scatter @!p1 [tilespmem:s2], [sflag:$0x1], $0x1, $0x38;
	[tilespmem:$0x11A60] =	vst v63  }
0xc9: {  	_ =	swait.ge @!p1 [sflag:s0], $0x1  }
0xca: {  	[sflag:s0] =	ssyncset.done @!p1 $0x0  }
0xcb: {  	[sflag:s0] =	ssyncadd.s32 @!p1 $0xFFFFFFFF;
	(ifvalue) =	ssetifvalue $0xFFFFFFFF;
	v3 =	vld [tilespmem:s25+$0x10];
	_ =	sdelay $0x3  }
.Ltmp6:
0xcc: {  	_ = 	snop;
	(pc) =	sbr.rel .LBB2_9-.Ltmp6, $3  }
0xcd: {  	_ =	sdelay $0x1  }
0xce: {  	(ifvalue) =	ssetifvalue $0xFFFFFFFF  }
0xcf: {  	[hbm4b:s1+s16] =	stream.indirect_vreg.scatter [tilespmem:s26], [sflag:$0x9], $0x1, v3, vm0, $0x4038;
	[tilespmem:$0x11A60] =	vst v63  }
.LBB2_10:
0xd0: {  	_ =	sfence.sel $0x180000  }
0xd1: {  	s0 =	simm.s32 $0x7;
	[bflag:$0x0] =	sbarrier.arrive $0xFFFF  }
0xd2: {  	s26 =	simm.s32 $0x8;
	[sflag:s0] =	ssyncpa.u1 $0x1  }
0xd3: {  	s28 =	simm.s32 $0x9;
	[sflag:s26] =	ssyncpa.u1 $0x1  }
0xd4: {  	[sflag:s28] =	ssyncpa.u1 $0x1  }
0xd5: {  	_ =	sfence.stream.spmem  }
0xd6: {  	s29 =	simm.s32 $0x3;
	[bflag:$0x0] =	sbarrier.arrive $0xFFFF  }
0xd7: {  	s30 =	simm.s32 $0x4;
	[sflag:s29] =	ssyncpa.u1 $0x1  }
0xd8: {  	s31 =	simm.s32 $0x3C;
	s2 =	stileid.u32;
	[sflag:s30] =	ssyncpa.u1 $0x1  }
0xd9: {  	p0 =	sne.s32 s2, $0x0;
	[sflag:s31] =	ssyncpa.u1 $0x1  }
0xda: {  	s0 =	simm.s32 @p0 $0x1;
	_ =	sfence @p0  }
0xdb: {  	[sflag:s0] =	ssyncpa.u1 @p0 $0x1;
	s0 =	simm.s32 @p0 $0x2  }
0xdc: {  	[sflag:s0] =	ssyncpa.u1 @p0 $0x1  }
0xdd: {  	_ =	strace @p0 $0x90000047  }
0xde: {  	[bflag:$0x2] =	sbarrier.arrive @p0 $0xFFFF  }
0xdf: {  	_ =	shalt @p0  }
.LBB2_11:
0xe0: {  	_ =	sfence.stream.spmem;
	s0 =	simm.s32 $0x5  }
0xe1: {  	s2 =	simm.s32 $0x80;
	s3 =	simm.s32 $0xC0;
	[sflag:s0] =	ssyncpa.u1 $0x0  }
0xe2: {  	[tilespmem:s3], [sflag:$0x5] =	stream.linear.gather [spmem:s2], $0x20, $0x38;
	[tilespmem:$0x11A60] =	vst v63  }
0xe3: {  	s30 =	simm.s32 $0xE0;
	s2 =	simm.s32 $0x0  }
0xe4: {  	[tilespmem:s30], [sflag:$0x5] =	stream.linear.gather [spmem:s2], $0x20, $0x38;
	[tilespmem:$0x11A60] =	vst v63  }
.Ltmp7:
0xe5: {  	_ = 	snop;
	(pc) =	sbr.rel .LBB2_12-.Ltmp7, $4  }
0xe6: {  	_ =	swait.ge [sflag:s0], $0x40  }
0xe7: {  	[sflag:s0] =	ssyncset.done $0x0  }
0xe8: {  	s31 =	simm.s32 $0x6;
	[sflag:s0] =	ssyncadd.s32 $0xFFFFFFC0  }
0xe9: {  	s3 =	simm.s32 $0x0;
	[sflag:s31] =	ssyncpa.u1 $0x0  }
.LBB2_17:
0xea: {  	p0 =	sgt.u32 s4, $0x4F3FF  }
0xeb: {  	s0 =	sshrl.u32 @!p0 s4, $0x3  }
0xec: {  	s4 =	sand.u32 @!p0 $0x7, s4;
	s5 =	simm.s32 @!p0 $0xB0;
	s0 =	sadd.s32 @!p0 s1, s0  }
0xed: {  	[tilespmem:s5], [sflag:$0x6] =	stream.linear.gather @!p0 [hbm4b:s0+s4], $0x1, $0x38;
	[tilespmem:$0x11A60] =	vst v63  }
0xee: {  	s0 =	simm.s32 @!p0 $0x6  }
0xef: {  	_ =	swait.ge @!p0 [sflag:s0], $0x1  }
0xf0: {  	[sflag:s0] =	ssyncset.done @!p0 $0x0  }
0xf1: {  	[sflag:s0] =	ssyncadd.s32 @!p0 $0xFFFFFFFF  }
0xf2: {  	v1 =	vld.msk @!p0 [tilespmem:$0xB0], $0x1  }
0xf3: {  	v2 =	vld.msk @!p0 [tilespmem:s3+$0xE0], $0x1;
	_ =	sdelay $0x4  }
0xf4: {  	vm0 =	vlt.s32 @!p0 v2, v1  }
0xf5: {  	v1 =	vsel @!p0 vm0, v2, v1  }
0xf6: {  	[tilespmem:s3+$0xE0] =	vst.msk @!p0 $0x1, v1  }
0xf7: {  	[tilespmem:s2+$0xC0] =	vst.msk $0x1, v0  }
0xf8: {  	v0 =	vld.msk [tilespmem:s3+$0xE0], $0x1;
	_ =	sdelay $0x4  }
0xf9: {  	[tilespmem:s2+$0xE0] =	vst.msk $0x1, v0;
	s2 =	sadd.s32 $0x1, s2  }
.LBB2_19:
0xfa: {  	s3 =	sadd.s32 $0x1, s3  }
0xfb: {  	p0 =	sne.s32 s3, $0x20  }
.Ltmp8:
0xfc: {  	_ = 	snop;
	(pc) =	sbr.rel @!p0 .LBB2_20-.Ltmp8, $1  }
0xfd: {  	_ =	sdelay $0x3  }
.LBB2_12:
0xfe: {  	v0 =	vld.msk [tilespmem:s3+$0xC0], $0x1;
	_ =	sdelay $0x4  }
0xff: {  	(v2sf) =	vpush v0, $0x0;
	_ =	sdelay $0xe  }
0x100: {  	s4 =	spop (v2sf)  }
0x101: {  	p0 =	seq.s32 s4, $0xFFFFFFFF  }
.Ltmp9:
0x102: {  	_ = 	snop;
	(pc) =	sbr.rel @p0 .LBB2_19-.Ltmp9, $1  }
0x103: {  	_ =	sdelay $0x3  }
0x104: {  	p0 =	slt.s32 s2, $0x1  }
.Ltmp10:
0x105: {  	_ = 	snop;
	(pc) =	sbr.rel @p0 .LBB2_17-.Ltmp10, $1  }
0x106: {  	_ =	sdelay $0x3  }
0x107: {  	s0 =	simm.s32 $0xC0;
	p0 =	por $0x0, $0x0  }
0x108: {  	v1 =	vld.msk @!p0 [tilespmem:s0+$0x0], $0x1;
	_ =	sdelay $0x4  }
0x109: {  	(v2sf) =	vpush @!p0 v1, $0x0;
	_ =	sdelay $0xd  }
0x10a: {  	p2 =	sne.s32 s2, $0x1  }
.Ltmp11:
0x10b: {  	s5 =	spop @!p0 (v2sf);
	(pc) =	sbr.rel @!p2 .LBB2_16-.Ltmp11, $4  }
0x10c: {  	p1 =	seq.s32 @!p0 s4, s5  }
0x10d: {  	s5 =	simm.s32 $0x0;
	p1 =	por !p1, p0  }
0x10e: {  	s7 =	simm.s32 $0xFFFFFFFF;
	s5 =	simm.s32 @p1 $0xFFFFFFFF  }
0x10f: {  	s6 =	simm.s32 $0x1;
	s5 =	smov.u32 @p0 s7  }
.LBB2_15:
0x110: {  	s7 =	smov.u32 s5;
	p0 =	sne.s32 s5, $0xFFFFFFFF  }
0x111: {  	s0 =	sadd.s32 $0x1, s0;
	s5 =	smov.u32 s6;
	s6 =	sadd.s32 $0x1, s6  }
0x112: {  	p1 =	sne.s32 s2, s6;
	v1 =	vld.msk @!p0 [tilespmem:s0+$0x0], $0x1;
	_ =	sdelay $0x4  }
0x113: {  	(v2sf) =	vpush @!p0 v1, $0x0;
	_ =	sdelay $0xe  }
.Ltmp12:
0x114: {  	s8 =	spop @!p0 (v2sf);
	(pc) =	sbr.rel @p1 .LBB2_15-.Ltmp12, $4  }
0x115: {  	p2 =	seq.s32 @!p0 s4, s8  }
0x116: {  	p2 =	por !p2, p0  }
0x117: {  	s5 =	simm.s32 @p2 $0xFFFFFFFF  }
0x118: {  	s5 =	smov.u32 @p0 s7  }
.LBB2_16:
0x119: {  	p0 =	sne.s32 s5, $0xFFFFFFFF  }
.Ltmp13:
0x11a: {  	_ = 	snop;
	(pc) =	sbr.rel @!p0 .LBB2_17-.Ltmp13, $1  }
0x11b: {  	_ =	sdelay $0x3  }
0x11c: {  	v0 =	vld.msk [tilespmem:s3+$0xE0], $0x1  }
0x11d: {  	v1 =	vld.msk [tilespmem:s5+$0xE0], $0x1;
	_ =	sdelay $0x2  }
.Ltmp14:
0x11e: {  	_ = 	snop;
	(pc) =	sbr.rel .LBB2_19-.Ltmp14, $4  }
0x11f: {  	_ = 	snop  }
0x120: {  	vm0 =	vlt.s32 v1, v0  }
0x121: {  	v0 =	vsel vm0, v1, v0  }
0x122: {  	[tilespmem:s5+$0xE0] =	vst.msk $0x1, v0  }
.LBB2_20:
0x123: {  	p0 =	slt.s32 s2, $0x1  }
.Ltmp15:
0x124: {  	_ = 	snop;
	(pc) =	sbr.rel @p0 .LBB2_24-.Ltmp15, $3  }
0x125: {  	_ =	sdelay $0x1  }
0x126: {  	s0 =	simm.s32 $0x6  }
0x127: {  	s3 =	simm.s32 $0x0;
	[sflag:s0] =	ssyncpa.u1 $0x1  }
0x128: {  	s0 =	simm.s32 $0xC0  }
0x129: {  	v0 =	vld.msk [tilespmem:s0+$0x0], $0x1;
	_ =	sdelay $0x4  }
0x12a: {  	(v2sf) =	vpush v0, $0x0;
	_ =	sdelay $0xe  }
0x12b: {  	s2 =	sadd.s32 $0xFFFFFFFF, s2;
	s4 =	spop (v2sf)  }
0x12c: {  	p1 =	sne.s32 s2, $0x0;
	p0 =	sgt.u32 s4, $0x4F3FF  }
.Ltmp16:
0x12d: {  	s5 =	sshrl.u32 @!p0 s4, $0x3;
	(pc) =	sbr.rel @!p1 .LBB2_23-.Ltmp16, $4  }
0x12e: {  	s0 =	simm.s32 $0xE0;
	s4 =	sand.u32 @!p0 $0x7, s4;
	s5 =	sadd.s32 @!p0 s1, s5  }
0x12f: {  	[hbm4b:s5+s4] =	stream.linear.scatter @!p0 [tilespmem:s0], [sflag:$0x5], $0x1, $0x38;
	[tilespmem:$0x11A60] =	vst v63  }
0x130: {  	s5 =	simm.s32 $0x0  }
0x131: {  	s4 =	simm.s32 $0xC1;
	s5 =	simm.s32 @!p0 $0x4  }
.LBB2_22:
0x132: {  	v0 =	vld.msk [tilespmem:s4+$0x0], $0x1;
	s2 =	sadd.s32 $0xFFFFFFFF, s2;
	s3 =	sadd.s32 s3, s5  }
0x133: {  	p0 =	sne.s32 s2, $0x0;
	_ =	sdelay $0x3  }
0x134: {  	(v2sf) =	vpush v0, $0x0;
	_ =	sdelay $0xe  }
.Ltmp17:
0x135: {  	s6 =	spop (v2sf);
	(pc) =	sbr.rel @p0 .LBB2_22-.Ltmp17, $4  }
0x136: {  	s5 =	simm.s32 $0x0;
	p1 =	sgt.u32 s6, $0x4F3FF  }
0x137: {  	s0 =	sadd.s32 $0x1, s0;
	s5 =	simm.s32 @!p1 $0x4;
	s7 =	sshrl.u32 @!p1 s6, $0x3  }
0x138: {  	s4 =	sadd.s32 $0x1, s4;
	s6 =	sand.u32 @!p1 $0x7, s6;
	s7 =	sadd.s32 @!p1 s1, s7  }
0x139: {  	[hbm4b:s7+s6] =	stream.linear.scatter @!p1 [tilespmem:s0], [sflag:$0x5], $0x1, $0x38;
	[tilespmem:$0x11A60] =	vst v63  }
.LBB2_23:
0x13a: {  	s0 =	sadd.s32 s3, s5  }
0x13b: {  	s3 =	sshrl.u32 s0, $0x2  }
.LBB2_24:
0x13c: {  	s0 =	simm.s32 $0x5  }
0x13d: {  	_ =	swait.ge [sflag:s0], s3  }
0x13e: {  	s1 =	ssub.s32 $0x0, s3;
	[sflag:s0] =	ssyncset.done $0x0  }
0x13f: {  	[sflag:s0] =	ssyncadd.s32 s1  }
0x140: {  	[sflag:s0] =	ssyncpa.u1 $0x1  }
0x141: {  	s29 =	simm.s32 $0x1;
	_ =	sfence  }
0x142: {  	s30 =	simm.s32 $0x2;
	[sflag:s29] =	ssyncpa.u1 $0x1  }
0x143: {  	[sflag:s30] =	ssyncpa.u1 $0x1  }
0x144: {  	_ =	strace $0x90000047  }
0x145: {  	[bflag:$0x2] =	sbarrier.arrive $0xFFFF  }
0x146: {  	s31 =	rddreg [dreg:$0x2]  }
0x147: {  	s0 =	sadd.s32 $0x100000, s31  }
0x148: {  	[sflag:s0] =	ssyncadd.tile.s32 $0x1;
	_ =	shalt  }
.Lfunc_end2:
_tile_overlayer_lowered:
.L_overlay_start_2:
0x149: {  	(tag) =	ssettag $0x2  }
0x14a: {  	s0 =	rddreg [dreg:$0x0];
	s2 =	stileid.u32  }
0x14b: {  	s1 =	rddreg [dreg:$0x1];
	p0 =	sne.s32 s2, $0x0  }
0x14c: {  	s3 =	rddreg [dreg:$0x2];
	[bflag:$0x3] =	sbarrier.arrive $0xFFFF;
	s2 =	simm.s32 @!p0 $0x1C01  }
0x14d: {  	[timem:s3], [sflag:s2] =	dma.local @!p0 [hbm:s0], s1  }
0x14e: {  	s0 =	simm.s32 @!p0 $0x1  }
0x14f: {  	_ =	swait.ge @!p0 [sflag:s0], s1  }
0x150: {  	s1 =	ssub.s32 @!p0 $0x0, s1;
	[sflag:s0] =	ssyncset.done @!p0 $0x0  }
0x151: {  	[sflag:s0] =	ssyncadd.s32 @!p0 s1  }
0x152: {  	[bflag:$0x3] =	sbarrier.arrive $0xFFFF  }
0x153: {  	_ =	shalt  }

// kernel: sparse-core-data-format-call.cloned.1.call-start
scs
called_computation.2_lowered:
.L_overlay_start_0:
0x0: {  	s2 =	sld [smem:$0x3FD9]  }
0x1: {  	s3 =	sld [smem:$0x3FFE];
	_ =	sdelay $0x1  }
0x2: {  	s1 =	srdreg.scid  }
0x3: {  	s0 =	sand.u32 $0x1, s1  }
0x4: {  	s18 =	sshll.u32 s0, $0xA;
	s2 =	sadd.s32 s3, s2  }
0x5: {  	s2 =	sadd.s32 s2, s18  }
0x6: {  	[smem:$0x3FC5] =	sst s2  }
0x7: {  	_ = 	snop  }
0x8: {  	s2 =	sld [smem:$0x3FD0];
	(tm) =	ssettm $0x1  }
0x9: {  	s19 =	sld [smem:$0x3FFB];
	_ =	sdelay $0x3  }
0xa: {  	_ =	strace s19  }
0xb: {  	s3 =	sld [smem:$0x3FFC];
	_ =	sdelay $0x3  }
0xc: {  	_ =	strace s3  }
0xd: {  	s3 =	sld [smem:$0x3FFD];
	_ =	sdelay $0x3  }
0xe: {  	_ =	strace s3  }
0xf: {  	_ =	strace $0x8FFFFFFF  }
0x10: {  	s20 =	sld [smem:$0x3FDB];
	_ =	sdelay $0x1  }
0x11: {  	s4 =	simm.s32 $_scs_section_size  }
0x12: {  	s5 =	simm.s32 $_size__tile_overlayer_lowered;
	s6 =	simm.s32 $_tile_overlayer_lowered  }
0x13: {  	s23 =	simm.s32 $0x1BFF;
	s22 =	sshll.u32 s6, $0x1;
	s3 =	sadd.s32 s4, s20  }
0x14: {  	s7 =	simm.s32 $0x0;
	s21 =	sshll.u32 s5, $0x1;
	s5 =	sadd.s32 s22, s3  }
0x15: {  	[timem:s7], [sflag:s23] =	dma.local [hbm:s5], s21  }
0x16: {  	_ =	swait.ge [sflag:s23], s21  }
0x17: {  	s4 =	ssub.s32 $0x0, s21;
	[sflag:s23] =	ssyncset.done $0x0  }
0x18: {  	[sflag:s23] =	ssyncadd.s32 s4;
	_ =	sdelay $0x1  }
0x19: {  	s24 =	simm.s32 $0x1B8B  }
0x1a: {  	_ =	swait.ge [sflag:s24], $0x1  }
0x1b: {  	[sflag:s24] =	ssyncset.done $0x0  }
0x1c: {  	s26 =	simm.s32 $0x1B8E;
	s25 =	sld [smem:$0x3FFE];
	[sflag:s24] =	ssyncadd.s32 $0xFFFFFFFF  }
0x1d: {  	s27 =	simm.s32 $execute0_lowered;
	[smem:$0x3FD2] =	sst s26  }
0x1e: {  	s5 =	sshll.u32 s27, $0x1;
	_ =	strace $0x8000004C;
	[dreg:$0x1] =	wrdreg $0xFFFFFFFF  }
0x1f: {  	s28 =	simm.s32 $_size_execute0_lowered;
	s3 =	sadd.s32 s3, s5;
	[dreg:$0x0] =	wrdreg $0x0  }
0x20: {  	s5 =	sshll.u32 s28, $0x1;
	[dreg:$0x2] =	wrdreg s3  }
0x21: {  	[dreg:$0x3] =	wrdreg s5  }
0x22: {  	[dreg:$0x4] =	wrdreg $0xC0  }
0x23: {  	_ =	task [dreg:s7], $0x5FFFF  }
0x24: {  	[dreg:$0x1] =	wrdreg $0xFFFFFFFF  }
0x25: {  	[dreg:$0x0] =	wrdreg $0x60  }
0x26: {  	[dreg:$0x2] =	wrdreg s25  }
0x27: {  	[dreg:$0x3] =	wrdreg s2  }
0x28: {  	[dreg:$0x4] =	wrdreg $0x9  }
0x29: {  	_ =	task.clear_ibuf [dreg:s7], $0x5FFFF;
	_ =	strace $0x9000004C  }
0x2a: {  	s29 =	simm.s32 $0x9;
	_ =	strace $0x8000004E  }
0x2b: {  	_ =	swait.ge [sflag:s29], $0x1  }
0x2c: {  	[sflag:s29] =	ssyncadd.s32 $0xFFFFFFFF  }
0x2d: {  	_ =	strace $0x9000004E  }
0x2e: {  	_ =	sfence  }
0x2f: {  	s30 =	sld [smem:$0x0];
	_ =	sdelay $0x2  }
0x30: {  	s31 =	sshll.u32 s1, $0xD;
	s1 =	sshrl.u32 s1, $0x2  }
0x31: {  	s3 =	sand.u32 $0x4000, s31;
	s1 =	sadd.s32 s1, s30  }
0x32: {  	s0 =	sor.u32 s3, s0;
	s1 =	sshll.u32 s1, $0x11  }
0x33: {  	s0 =	sor.u32 s1, s0  }
0x34: {  	s0 =	sadd.s32 $0x8F2B, s0  }
0x35: {  	[sflag:s0] =	ssyncadd.remote.s32 $0x1  }
0x36: {  	_ =	sfence.sel $0xFFFF  }
0x37: {  	[dreg:$0x0] =	wrdreg $0xFFFFFFFF;
	(pc) =	sbr.abs _section_cstart, $3  }
0x38: {  	[dreg:$0x1] =	wrdreg $0xFFFFFFFF  }
0x39: {  	_ =	task.clear_ibuf [dreg:s7], $0x2FFFF;
	_ =	strace $0x9FFFFFFF  }
0x3a: {  	(tm) =	ssettm $0x7FFFFFFF  }
0x3b: {  	_ =	shalt  }
tec
execute0_lowered:
.L_overlay_start_1:
0x0: {  	(tag) =	ssettag $0x1  }
0x1: {  	s2 =	stileid.u32;
	s0 =	srdreg.scid  }
0x2: {  	s29 =	rddreg [dreg:$0x0];
	_ =	strace $0x8000004D;
	s30 =	simm.s32 $0x1  }
0x3: {  	s31 =	simm.s32 $0x2;
	s25 =	simm.s32 $0x0;
	s12 =	simm.s32 $0x0  }
0x4: {  	s24 =	simm.s32 $0x0;
	s23 =	simm.s32 $0x0;
	s22 =	simm.s32 $0x0  }
0x5: {  	s13 =	simm.s32 $0x0;
	s14 =	simm.s32 $0x0;
	s15 =	simm.s32 $0x0  }
0x6: {  	s6 =	sand.u32 $0x1, s2;
	s0 =	sshll.u32 s0, $0x7;
	s7 =	sshrl.u32 s2, $0x1  }
0x7: {  	s1 =	ssub.s32 $0x2, s6;
	s8 =	sand.u32 $0x80, s0;
	s2 =	ssub.s32 $0xBB, s7  }
0x8: {  	s26 =	sshrl.u32 s1, $0x1;
	s1 =	sand.u32 $0x1, s1;
	s3 =	ssub.s32 $0x100, s8  }
0x9: {  	s27 =	sshrl.u32 s2, $0x3;
	s0 =	sadd.s32 s1, s26;
	s28 =	sshrl.u32 s3, $0x7  }
0xa: {  	s3 =	sshrl.u32 s3, $0x8;
	s2 =	sand.u32 $0x1, s28;
	s0 =	smul.u32 s0, s27  }
0xb: {  	s16 =	simm.s32 $0x0;
	s17 =	simm.s32 $0x0;
	s2 =	sadd.s32 s3, s2  }
0xc: {  	s18 =	simm.s32 $0x0;
	[dreg:$0x3] =	wrdreg s6;
	s0 =	smul.u32 s2, s0  }
.Ltmp0:
0xd: {  	[sflag:s30] =	ssyncpa.u1 $0x0;
	[dreg:$0x4] =	wrdreg s7;
	(pc) =	sbr.rel .LBB1_1-.Ltmp0, $4  }
0xe: {  	s10 =	sadd.s32 s29, s8;
	[dreg:$0x5] =	wrdreg s8;
	s9 =	smul.u32 $0xF, s0  }
0xf: {  	s21 =	simm.s32 $0x0;
	[sflag:s31] =	ssyncpa.u1 $0x0;
	[dreg:$0x7] =	wrdreg s10  }
0x10: {  	s19 =	smov.u32 s7;
	s11 =	sadd.s32 $0x1, s9;
	[dreg:$0x6] =	wrdreg s9  }
0x11: {  	s20 =	smov.u32 s6;
	s26 =	simm.s32 $0x0;
	[dreg:$0x8] =	wrdreg s11  }
.LBB1_13:
0x12: {  	s1 =	rddreg [dreg:$0xd]  }
0x13: {  	s14 =	rddreg [dreg:$0xa]  }
0x14: {  	s4 =	rddreg [dreg:$0x1]  }
0x15: {  	s5 =	rddreg [dreg:$0xc]  }
0x16: {  	s29 =	rddreg [dreg:$0xb]  }
0x17: {  	p0 =	sgt.s32 s13, $0x4;
	s0 =	smov.u32 s13;
	s6 =	rddreg [dreg:$0x3]  }
0x18: {  	s26 =	sshll.u32 s15, $0x6;
	s2 =	sshll.u32 s16, $0x4;
	s7 =	rddreg [dreg:$0x4]  }
0x19: {  	s27 =	smul.u32 $0x1FA400, s13;
	s28 =	sshll.u32 s21, $0xD;
	s8 =	rddreg [dreg:$0x5]  }
0x1a: {  	s30 =	simm.s32 $0x80;
	s9 =	rddreg [dreg:$0x6];
	s0 =	simm.s32 @!p0 $0x4  }
0x1b: {  	s31 =	simm.s32 $0x16800;
	s10 =	rddreg [dreg:$0x7];
	s0 =	sadd.s32 s1, s0  }
0x1c: {  	s3 =	smul.u32 $0x2D00, s14;
	s2 =	sand.u32 $0x10, s2;
	s1 =	sadd.s32 $0xFFFFFFFC, s0  }
0x1d: {  	s0 =	ssub.s32 $0x5, s0;
	p0 =	sgt.s32 s1, $0x0;
	s1 =	sadd.s32 s4, s26  }
0x1e: {  	s11 =	rddreg [dreg:$0x8];
	s0 =	simm.s32 @p0 $0x0;
	s1 =	sadd.s32 s2, s1  }
0x1f: {  	s12 =	rddreg [dreg:$0x9];
	s0 =	smul.u32 s0, s5;
	s1 =	sadd.s32 s3, s1  }
0x20: {  	s2 =	sand.u32 $0x2000, s28;
	s3 =	sshrl.u32 s29, $0x2;
	s1 =	sadd.s32 s27, s1  }
0x21: {  	s2 =	sor.u32 $0x4000, s2;
	s0 =	sand.u32 $0x3FFFFF80, s0;
	s1 =	sadd.s32 s3, s1  }
0x22: {  	[hbm4b:s1+s30] =	stream.strided.scatter [tilespmem:s2], [sflag:$0x2], s0, s31, s30, $0x38;
	[tilespmem:$0x8000] =	vst v63  }
.LBB1_14:
0x23: {  	p0 =	slt.u32 s21, $0x2;
	s0 =	smov.u32 s25;
	s5 =	smov.u32 s18  }
0x24: {  	s12 =	sadd.s32 $0x2000, s12;
	s26 =	smov.u32 s8;
	p1 =	sgt.s32 @!p0 s25, $0x4  }
0x25: {  	s1 =	sshra.s32 @!p0 s25, $0x1F;
	p2 =	sgt.s32 @!p0 s24, $0x74;
	p1 =	por !p1, p0  }
0x26: {  	s2 =	sshra.s32 @!p0 s24, $0x1F;
	s1 =	sand.u32 @!p0 s1, s25;
	s0 =	simm.s32 @p1 $0x4  }
0x27: {  	s3 =	sshra.s32 @!p0 s23, $0x1F;
	p2 =	por !p2, p0;
	s0 =	ssub.s32 @!p0 s0, s1  }
0x28: {  	s2 =	sand.u32 @!p0 s2, s24;
	s3 =	sand.u32 @!p0 s3, s23;
	s1 =	sadd.s32 @!p0 $0xFFFFFFFC, s0  }
0x29: {  	s25 =	smov.u32 s13;
	p1 =	sgt.s32 @!p0 s1, $0x0;
	s1 =	smov.u32 s24  }
0x2a: {  	s13 =	smov.u32 s17;
	s1 =	simm.s32 @p2 $0x74;
	p2 =	sgt.s32 @!p0 s23, $0xB3  }
0x2b: {  	s1 =	ssub.s32 @!p0 s1, s2;
	p2 =	por !p2, p0;
	s2 =	smov.u32 s23  }
0x2c: {  	s0 =	ssub.s32 @!p0 $0x5, s0;
	p1 =	por !p1, p0;
	s2 =	simm.s32 @p2 $0xB3  }
0x2d: {  	p2 =	sgt.s32 @!p0 s22, $0x1;
	s2 =	ssub.s32 @!p0 s2, s3;
	s3 =	sshra.s32 @!p0 s22, $0x1F  }
0x2e: {  	p2 =	por !p2, p0;
	s4 =	sadd.s32 @!p0 $0xFFFFFF4D, s2;
	s3 =	sand.u32 @!p0 s3, s22  }
0x2f: {  	s22 =	simm.s32 @p2 $0x1;
	p2 =	sgt.s32 @!p0 s4, $0x0;
	s3 =	sxor.u32 @!p0 $0xFFFFFFFF, s3  }
0x30: {  	s2 =	ssub.s32 @!p0 $0xB4, s2;
	p2 =	por !p2, p0;
	s3 =	sadd.s32 @!p0 s3, s22  }
0x31: {  	s2 =	simm.s32 @!p2 $0x0;
	p2 =	sgt.s32 @!p0 s3, $0x0;
	s3 =	sshll.u32 @!p0 s3, $0x7  }
0x32: {  	s4 =	sadd.s32 @!p0 $0xFFFFFF8C, s1;
	s3 =	ssub.s32 @!p0 $0x80, s3;
	p2 =	por !p2, p0  }
0x33: {  	s1 =	ssub.s32 @!p0 $0xB4, s1;
	s3 =	simm.s32 @!p2 $0x0;
	p2 =	sgt.s32 @!p0 s4, $0x3F  }
0x34: {  	p2 =	por !p2, p0;
	s2 =	smul.u32 @!p0 s2, s3;
	s3 =	sadd.s32 $0x1, s17  }
0x35: {  	s4 =	sadd.s32 $0x40, s18;
	s1 =	simm.s32 @!p2 $0x0;
	p2 =	sgt.s32 s3, $0x4  }
0x36: {  	s0 =	simm.s32 @!p1 $0x0;
	s1 =	smul.u32 @!p0 s1, s2;
	s5 =	smov.u32 @p2 s4  }
0x37: {  	s2 =	sadd.s32 $0x8, s19;
	s4 =	smov.u32 s19;
	p1 =	sgt.s32 s5, $0xB3  }
0x38: {  	s3 =	simm.s32 @p2 $0x0;
	s0 =	smul.u32 @!p0 s0, s1;
	s4 =	smov.u32 @p1 s2  }
0x39: {  	s1 =	sadd.s32 $0x2, s20;
	s2 =	smov.u32 s20;
	p2 =	sgt.s32 s4, $0xB3  }
0x3a: {  	s24 =	smov.u32 s14;
	s14 =	smov.u32 s18;
	s2 =	smov.u32 @p2 s1  }
0x3b: {  	s23 =	smov.u32 s15;
	s5 =	simm.s32 @p1 $0x0;
	p1 =	sgt.s32 s2, $0x1  }
0x3c: {  	s15 =	smov.u32 s19;
	s2 =	smov.u32 @p1 s6;
	p1 =	sne.s32 s21, s11  }
.Ltmp1:
0x3d: {  	s22 =	smov.u32 s16;
	s16 =	smov.u32 s20;
	(pc) =	sbr.rel @!p1 .LBB1_15-.Ltmp1, $4  }
0x3e: {  	s17 =	smov.u32 s3;
	s0 =	sand.u32 @!p0 $0x3FFFFF80, s0;
	s1 =	simm.s32 @!p0 $0x2  }
0x3f: {  	s18 =	smov.u32 s5;
	s4 =	smov.u32 @p2 s7;
	_ =	swait.ge @!p0 [sflag:s1], s0  }
0x40: {  	s0 =	ssub.s32 @!p0 $0x0, s0;
	s19 =	smov.u32 s4;
	[sflag:s1] =	ssyncset.done @!p0 $0x0  }
0x41: {  	s21 =	sadd.s32 $0x1, s21;
	[sflag:s1] =	ssyncadd.s32 @!p0 s0;
	s20 =	smov.u32 s2  }
.LBB1_1:
0x42: {  	p0 =	sge.u32 s21, s9;
	s0 =	smov.u32 s19;
	s3 =	smov.u32 s20  }
0x43: {  	s4 =	smov.u32 s17;
	p1 =	sgt.s32 @!p0 s19, $0xB3;
	p2 =	sgt.s32 @!p0 s20, $0x1  }
0x44: {  	s1 =	sshra.s32 @!p0 s19, $0x1F;
	s2 =	sshra.s32 @!p0 s20, $0x1F;
	p1 =	por !p1, p0  }
0x45: {  	s1 =	sand.u32 @!p0 s1, s19;
	s2 =	sand.u32 @!p0 s2, s20;
	s0 =	simm.s32 @p1 $0xB3  }
0x46: {  	p1 =	por !p2, p0;
	p2 =	sgt.s32 @!p0 s18, $0x74;
	s0 =	ssub.s32 @!p0 s0, s1  }
0x47: {  	s3 =	simm.s32 @p1 $0x1;
	s1 =	sxor.u32 @!p0 $0xFFFFFFFF, s2;
	p2 =	por !p2, p0  }
0x48: {  	s2 =	sadd.s32 @!p0 $0xFFFFFF4D, s0;
	s1 =	sadd.s32 @!p0 s1, s3;
	s0 =	ssub.s32 @!p0 $0xB4, s0  }
0x49: {  	s3 =	sshra.s32 @!p0 s18, $0x1F;
	p1 =	sgt.s32 @!p0 s2, $0x0;
	s2 =	smov.u32 s18  }
0x4a: {  	s3 =	sand.u32 @!p0 s3, s18;
	p1 =	por !p1, p0;
	s2 =	simm.s32 @p2 $0x74  }
0x4b: {  	p2 =	sgt.s32 @!p0 s1, $0x0;
	s1 =	sshll.u32 @!p0 s1, $0x7;
	s0 =	simm.s32 @!p1 $0x0  }
0x4c: {  	s2 =	ssub.s32 @!p0 s2, s3;
	p1 =	sgt.s32 @!p0 s17, $0x7;
	s1 =	ssub.s32 @!p0 $0x80, s1  }
0x4d: {  	p2 =	por !p2, p0;
	s3 =	sadd.s32 @!p0 $0xFFFFFF8C, s2;
	p1 =	por !p1, p0  }
0x4e: {  	s4 =	simm.s32 @p1 $0x7;
	p1 =	sgt.s32 @!p0 s3, $0x3F;
	s3 =	sshra.s32 @!p0 s17, $0x1F  }
0x4f: {  	s2 =	ssub.s32 @!p0 $0xB4, s2;
	s1 =	simm.s32 @!p2 $0x0;
	s3 =	sand.u32 @!p0 s3, s17  }
0x50: {  	s0 =	smul.u32 @!p0 s0, s1;
	p1 =	por !p1, p0;
	s3 =	ssub.s32 @!p0 s4, s3  }
0x51: {  	s31 =	sadd.s32 $0xFFFFFFFF, s21;
	s2 =	simm.s32 @!p1 $0x0;
	s1 =	sadd.s32 @!p0 $0xFFFFFFF9, s3  }
0x52: {  	s4 =	sxor.u32 @!p0 $0xFFFFFFFF, s21;
	s0 =	smul.u32 @!p0 s2, s0;
	p1 =	sgt.s32 @!p0 s1, $0x0  }
0x53: {  	s2 =	smul.u32 @!p0 $0x7E9000, s20;
	s1 =	ssub.s32 @!p0 $0x8, s3;
	p1 =	por !p1, p0  }
0x54: {  	s3 =	sshll.u32 @!p0 s4, $0xD;
	s4 =	smul.u32 @!p0 $0xB400, s19;
	s1 =	simm.s32 @!p1 $0x0  }
0x55: {  	s5 =	sshll.u32 @!p0 s17, $0x4;
	s0 =	smul.u32 @!p0 s1, s0;
	s1 =	sadd.s32 @!p0 s2, s10  }
0x56: {  	s3 =	sand.u32 @!p0 $0x2000, s3;
	s2 =	sshll.u32 @!p0 s18, $0x8;
	s1 =	sadd.s32 @!p0 s4, s1  }
0x57: {  	s4 =	sand.u32 @!p0 $0x70, s5;
	s0 =	sand.u32 @!p0 $0x3FFFFF80, s0;
	s1 =	sadd.s32 @!p0 s2, s1  }
0x58: {  	s2 =	simm.s32 @!p0 $0x80;
	s1 =	sadd.s32 @!p0 s4, s1;
	s4 =	simm.s32 @!p0 $0x800  }
0x59: {  	[tilespmem:s3], [sflag:$0x1] =	stream.strided.gather @!p0 [hbm4b:s1+s2], s0, s4, s2, $0x38;
	[tilespmem:$0x8000] =	vst v63  }
0x5a: {  	p0 =	sge.u32 s31, s9  }
.Ltmp2:
0x5b: {  	_ = 	snop;
	(pc) =	sbr.rel @p0 .LBB1_14-.Ltmp2, $1  }
0x5c: {  	_ =	sdelay $0x3  }
0x5d: {  	p0 =	sgt.s32 s16, $0x1;
	s0 =	smov.u32 s16  }
0x5e: {  	s1 =	sshra.s32 s16, $0x1F;
	s2 =	smov.u32 s15;
	s3 =	sshra.s32 s15, $0x1F  }
0x5f: {  	p1 =	sgt.s32 s14, $0x74;
	s7 =	sshra.s32 s14, $0x1F;
	s9 =	ssub.s32 $0x0, s13  }
0x60: {  	s10 =	sshra.s32 s13, $0x1F;
	s4 =	smov.u32 s13;
	s1 =	sand.u32 s1, s16  }
0x61: {  	s0 =	simm.s32 @!p0 $0x1;
	p0 =	sgt.s32 s15, $0xB3;
	s1 =	sxor.u32 $0xFFFFFFFF, s1  }
0x62: {  	s3 =	sand.u32 s3, s15;
	s2 =	simm.s32 @!p0 $0xB3;
	s0 =	sadd.s32 s1, s0  }
0x63: {  	s6 =	ssub.s32 s2, s3;
	s3 =	sand.u32 s7, s14;
	p0 =	sgt.s32 s0, $0x0  }
0x64: {  	s0 =	ssub.s32 $0x1, s0;
	s2 =	sadd.s32 $0xFFFFFF4D, s6;
	s1 =	ssub.s32 $0xB4, s6  }
0x65: {  	s0 =	simm.s32 @p0 $0x0;
	p0 =	sgt.s32 s2, $0x0;
	s2 =	smov.u32 s14  }
0x66: {  	s1 =	simm.s32 @p0 $0x0;
	s2 =	simm.s32 @!p1 $0x74;
	p0 =	sgt.s32 s13, $0x7  }
0x67: {  	s0 =	smul.u32 s0, s1;
	s8 =	ssub.s32 s2, s3;
	s2 =	sand.u32 s9, s10  }
0x68: {  	s4 =	simm.s32 @!p0 $0x7;
	s5 =	sadd.s32 $0xFFFFFF8C, s8;
	s1 =	ssub.s32 $0xB4, s8  }
0x69: {  	[dreg:$0xd] =	wrdreg s2;
	s2 =	sadd.s32 s2, s4;
	p0 =	sgt.s32 s5, $0x3F  }
0x6a: {  	s11 =	sadd.s32 $0xFFFFFFF9, s2;
	s1 =	simm.s32 @p0 $0x0  }
0x6b: {  	s2 =	ssub.s32 $0x8, s2;
	p0 =	sgt.s32 s11, $0x0;
	s0 =	smul.u32 s1, s0  }
0x6c: {  	[dreg:$0x9] =	wrdreg s12;
	s2 =	simm.s32 @p0 $0x0;
	s1 =	sadd.s32 $0x1, s16  }
0x6d: {  	p0 =	slt.s32 s1, $0x2;
	s12 =	sshll.u32 s0, $0x7;
	s0 =	sadd.s32 $0x1, s15  }
0x6e: {  	s1 =	simm.s32 @!p0 $0x2;
	p0 =	slt.s32 s0, $0xB4  }
0x6f: {  	s29 =	ssub.s32 s1, s16;
	s1 =	sadd.s32 $0x40, s14;
	s0 =	simm.s32 @!p0 $0xB4  }
0x70: {  	p0 =	slt.s32 s1, $0xB4;
	p1 =	slt.s32 s29, $0x1;
	s30 =	ssub.s32 s0, s15  }
0x71: {  	s1 =	simm.s32 @!p0 $0xB4;
	s0 =	sadd.s32 $0x1, s13;
	p0 =	slt.s32 @!p1 s30, $0x1  }
0x72: {  	s31 =	ssub.s32 s1, s14;
	p0 =	por p1, p0;
	p1 =	slt.s32 s0, $0x5  }
0x73: {  	s0 =	simm.s32 @!p1 $0x5;
	p1 =	slt.s32 @!p0 s31, $0x1  }
0x74: {  	s4 =	ssub.s32 s0, s13;
	p0 =	por p0, p1  }
0x75: {  	p1 =	slt.s32 @!p0 s4, $0x1  }
0x76: {  	[dreg:$0xb] =	wrdreg s26;
	s2 =	smul.u32 s2, s12;
	p0 =	por p0, p1  }
.Ltmp3:
0x77: {  	[dreg:$0xa] =	wrdreg s14;
	(pc) =	sbr.rel @p0 .LBB1_13-.Ltmp3, $4  }
0x78: {  	s27 =	simm.s32 $0x1;
	[dreg:$0xc] =	wrdreg s12;
	s26 =	sand.u32 $0x3FFFFF80, s2  }
0x79: {  	_ =	swait.ge [sflag:s27], s26  }
0x7a: {  	s28 =	ssub.s32 $0x0, s26;
	[sflag:s27] =	ssyncset.done $0x0  }
0x7b: {  	[sflag:s27] =	ssyncadd.s32 s28  }
0x7c: {  	s0 =	rddreg [dreg:$0x9]  }
0x7d: {  	s0 =	sshll.u32 s0, $0x2  }
0x7e: {  	s0 =	sand.u32 $0x8000, s0  }
0x7f: {  	s2 =	sshrl.u32 s0, $0x2;
	s0 =	sshrl.u32 s0, $0x2  }
0x80: {  	s10 =	simm.s32 $0x0;
	s11 =	simm.s32 $0x0;
	s5 =	sor.u32 $0x4000, s0  }
.LBB1_4:
0x81: {  	s0 =	sand.u32 $0x80, s10  }
0x82: {  	s8 =	smov.u32 s2;
	s1 =	simm.s32 $0x0;
	s14 =	sadd.s32 s0, s5  }
.LBB1_5:
0x83: {  	s9 =	simm.s32 $0x0;
	s0 =	smov.u32 s8;
	s27 =	smov.u32 s14  }
.LBB1_6:
0x84: {  	s7 =	simm.s32 $0x0;
	s3 =	smov.u32 s27;
	s28 =	simm.s32 $0x0  }
.LBB1_7:
0x85: {  	s6 =	sand.u32 $0x380, s7  }
0x86: {  	s12 =	simm.s32 $0xFFFFFFF0;
	s26 =	sadd.s32 s6, s0;
	s6 =	smov.u32 s3  }
.LBB1_8:
0x87: {  	s12 =	sadd.s32 $0x10, s12  }
0x88: {  	v0 =	vld [tilespmem:s26+$0x0];
	p0 =	slt.u32 s12, $0x70  }
.Ltmp4:
0x89: {  	_ = 	snop;
	(pc) =	sbr.rel @p0 .LBB1_8-.Ltmp4, $2  }
0x8a: {  	_ =	sdelay $0x2  }
0x8b: {  	s26 =	sadd.s32 $0x10, s26;
	[tilespmem:s6+$0x0] =	vst v0;
	s6 =	sadd.s32 $0x10, s6  }
0x8c: {  	s28 =	sadd.s32 $0x1, s28  }
0x8d: {  	p0 =	sne.s32 s28, s4  }
.Ltmp5:
0x8e: {  	_ = 	snop;
	(pc) =	sbr.rel @p0 .LBB1_7-.Ltmp5, $2  }
0x8f: {  	_ =	sdelay $0x2  }
0x90: {  	s3 =	sadd.s32 $0x2000, s3;
	s7 =	sadd.s32 $0x80, s7  }
0x91: {  	s9 =	sadd.s32 $0x1, s9  }
0x92: {  	p0 =	sne.s32 s9, s31  }
.Ltmp6:
0x93: {  	_ = 	snop;
	(pc) =	sbr.rel @p0 .LBB1_6-.Ltmp6, $2  }
0x94: {  	_ =	sdelay $0x2  }
0x95: {  	s27 =	sadd.s32 $0x80, s27;
	s0 =	sadd.s32 $0x80, s0  }
0x96: {  	s1 =	sadd.s32 $0x1, s1  }
0x97: {  	p0 =	sne.s32 s1, s30  }
.Ltmp7:
0x98: {  	_ = 	snop;
	(pc) =	sbr.rel @p0 .LBB1_5-.Ltmp7, $2  }
0x99: {  	_ =	sdelay $0x2  }
0x9a: {  	s14 =	sadd.s32 $0x80, s14;
	s8 =	sadd.s32 $0x2000, s8  }
0x9b: {  	s11 =	sadd.s32 $0x1, s11  }
0x9c: {  	p0 =	sne.s32 s11, s29  }
.Ltmp8:
0x9d: {  	_ = 	snop;
	(pc) =	sbr.rel @p0 .LBB1_4-.Ltmp8, $4  }
.Ltmp9:
0x9e: {  	_ = 	snop;
	(pc) =	sbr.rel @!p0 .LBB1_13-.Ltmp9, $4  }
0x9f: {  	_ = 	snop  }
0xa0: {  	_ = 	snop  }
0xa1: {  	s10 =	sadd.s32 $0x80, s10;
	s2 =	sadd.s32 $0x2000, s2  }
0xa2: {  	_ = 	snop  }
.LBB1_15:
0xa3: {  	_ =	sfence.sel $0x180000  }
0xa4: {  	s0 =	simm.s32 $0x1;
	[bflag:$0x0] =	sbarrier.arrive $0xFFFF  }
0xa5: {  	s30 =	simm.s32 $0x2;
	[sflag:s0] =	ssyncpa.u1 $0x1  }
0xa6: {  	[sflag:s30] =	ssyncpa.u1 $0x1  }
0xa7: {  	_ =	strace $0x9000004D  }
0xa8: {  	s31 =	stileid.u32;
	[bflag:$0x2] =	sbarrier.arrive $0xFFFF  }
0xa9: {  	p0 =	sne.s32 s31, $0x0;
	s0 =	rddreg [dreg:$0x2]  }
0xaa: {  	s0 =	sadd.s32 @!p0 $0x100000, s0  }
0xab: {  	[sflag:s0] =	ssyncadd.tile.s32 @!p0 $0x1;
	_ =	shalt  }
.Lfunc_end1:
_tile_overlayer_lowered:
.L_overlay_start_2:
0xac: {  	(tag) =	ssettag $0x2  }
0xad: {  	s0 =	rddreg [dreg:$0x0];
	s2 =	stileid.u32  }
0xae: {  	s1 =	rddreg [dreg:$0x1];
	p0 =	sne.s32 s2, $0x0  }
0xaf: {  	s3 =	rddreg [dreg:$0x2];
	[bflag:$0x3] =	sbarrier.arrive $0xFFFF;
	s2 =	simm.s32 @!p0 $0x1C01  }
0xb0: {  	[timem:s3], [sflag:s2] =	dma.local @!p0 [hbm:s0], s1  }
0xb1: {  	s0 =	simm.s32 @!p0 $0x1  }
0xb2: {  	_ =	swait.ge @!p0 [sflag:s0], s1  }
0xb3: {  	s1 =	ssub.s32 @!p0 $0x0, s1;
	[sflag:s0] =	ssyncset.done @!p0 $0x0  }
0xb4: {  	[sflag:s0] =	ssyncadd.s32 @!p0 s1  }
0xb5: {  	[bflag:$0x3] =	sbarrier.arrive $0xFFFF  }
0xb6: {  	_ =	shalt  }

</sc_bundles>
